<compile_context>
chip_gen: v7x
topology: tpu7x:2x2x1
jax: 0.10.2.dev20260603
libtpu: 0.0.44.dev20260713+nightly
codegen_flags: <defaults>
</compile_context>

<pallas_src>
import functools

import jax
import jax.numpy as jnp
from jax import lax
from jax.experimental import pallas as pl
from jax.experimental.pallas import tpu as pltpu
from jax.experimental.pallas import tpu_sc as plsc

BATCH = 32
SEQ = 2048
D = 128
NUM_CORES = 2
NUM_SUBCORES = 16
HALF = BATCH // NUM_CORES
SCHUNK = SEQ // NUM_SUBCORES
VECS = D // 16
NSTEP = HALF
NBUF = 4
UNROLL = 4


@functools.partial(
    pl.kernel,
    mesh=plsc.VectorSubcoreMesh(core_axis_name="c", subcore_axis_name="s"),
    out_type=jax.ShapeDtypeStruct((BATCH, SEQ, D), jnp.float32),
    scratch_types=(
        [pltpu.VMEM((HALF, SCHUNK), jnp.int32)]
        + [pltpu.VMEM((SCHUNK, D), jnp.float32)]
        + [pltpu.VMEM((SCHUNK, D), jnp.float32) for _ in range(NBUF)]
        + [pltpu.SemaphoreType.DMA for _ in range(2 * NBUF)]
    ),
)
def _emb_kernel(idx_hbm, table_hbm, pos_hbm, out_hbm, *refs):
    idx_v = refs[0]
    pos_v = refs[1]
    rows_v = refs[2:2 + NBUF]
    gsem = refs[2 + NBUF:2 + 2 * NBUF]
    wsem = refs[2 + 2 * NBUF:2 + 3 * NBUF]

    half = lax.axis_index("c")
    chunk = lax.axis_index("s")
    b0 = half * HALF
    base = chunk * SCHUNK

    def start_gather(g, p):
        pltpu.async_copy(table_hbm.at[idx_v.at[g]], rows_v[p], gsem[p])

    def wait_gather(g, p):
        pltpu.make_async_copy(
            table_hbm.at[idx_v.at[g]], rows_v[p], gsem[p]).wait()

    def start_write(g, p):
        pltpu.async_copy(rows_v[p],
                         out_hbm.at[b0 + g, pl.ds(base, SCHUNK), :], wsem[p])

    def wait_write(p):
        pltpu.make_async_copy(
            rows_v[p], out_hbm.at[0, pl.ds(0, SCHUNK), :], wsem[p]).wait()

    def add_pos(p):
        rows = rows_v[p]

        def add_body(r4, carry):
            for u in range(4):
                r = r4 * 4 + u
                for cc in range(VECS):
                    sl = pl.ds(cc * 16, 16)
                    plsc.addupdate(rows.at[r, sl], pos_v[r, sl])
            return carry

        lax.fori_loop(0, SCHUNK // 4, add_body, 0)

    pltpu.sync_copy(idx_hbm.at[pl.ds(b0, HALF), pl.ds(base, SCHUNK)], idx_v)
    start_gather(0, 0)
    start_gather(1, 1)
    pltpu.sync_copy(pos_hbm.at[0, pl.ds(base, SCHUNK), :], pos_v)

    def step(g, p, h):
        q = (p + 2) % NBUF

        def launch_ahead():
            if p <= 1:
                @pl.when(h >= 1)
                def _():
                    wait_write(q)
            else:
                wait_write(q)
            start_gather(g + 2, q)

        if p <= 1:
            launch_ahead()
        else:
            @pl.when(h < NSTEP // UNROLL - 1)
            def _():
                launch_ahead()

        wait_gather(g, p)
        add_pos(p)
        start_write(g, p)

    def group_body(h, carry):
        for p in range(UNROLL):
            step(h * UNROLL + p, p, h)
        return carry

    lax.fori_loop(0, NSTEP // UNROLL, group_body, 0)

    for p in range(NBUF):
        wait_write(p)


def kernel(input_ids, emb_table, pos_enc):
    return _emb_kernel(input_ids.astype(jnp.int32), emb_table, pos_enc)

# --- scband reference (transcript-rebuilt; emitter-appended) ---
"""Pipeline reference for scband-positional-embedding-67405216743505 (READ-ONLY COPY).

The authoritative reference and input builder live on the scoring server;
editing this copy changes nothing except your own understanding.
"""

import jax, jax.numpy as jnp
import numpy as np

VOCAB_SIZE = 100000
D_MODEL = 128
SEQ_LENGTH = 2048
BATCH = 32


def _generate_position_encodings():
    i, pos = np.meshgrid(np.arange(D_MODEL), np.arange(SEQ_LENGTH))
    encodings = np.sin(pos / 10000 ** (i / D_MODEL))
    encodings[:, 1::2] = np.cos(pos / 10000 ** (i / D_MODEL))[:, 1::2]
    return jnp.asarray(encodings[None, :, :], dtype=jnp.float32)


def setup_inputs(seed: int = 0) -> dict:
    key = jax.random.key(seed)
    k_idx, k_emb = jax.random.split(key)
    input_ids = jax.random.randint(k_idx, (BATCH, SEQ_LENGTH), 0, VOCAB_SIZE, dtype=jnp.int64 if jax.config.jax_enable_x64 else jnp.int32)
    emb_table = jax.random.normal(k_emb, (VOCAB_SIZE, D_MODEL), dtype=jnp.float32)
    pos_enc = _generate_position_encodings()
    return {"input_ids": input_ids, "emb_table": emb_table, "pos_enc": pos_enc}


def reference(input_ids, emb_table, pos_enc):
    # nn.Embedding lookup -> gather
    z = jnp.take(emb_table, input_ids, axis=0)  # [B, S, D]
    # add (broadcast) fixed sinusoidal position encodings [1, S, D]
    z = z + pos_enc
    return z

if __name__ == "__main__":
    import jax
    _d = setup_inputs()
    print(jax.jit(kernel)(*tuple(_d.values())))

</pallas_src>

<mosaic_0001>
#map = affine_map<(d0, d1) -> (0, 0)>
#map1 = affine_map<(d0, d1) -> (0, 0, 0)>
module attributes {stable_mosaic.version = 14 : i64} {
  func.func @_emb_kernel(%arg0: i32, %arg1: i32, %arg2: memref<32x2048xi32, #tpu.memory_space<hbm>>, %arg3: memref<100000x128xf32, #tpu.memory_space<hbm>>, %arg4: memref<1x2048x128xf32, #tpu.memory_space<hbm>>, %arg5: memref<32x2048x128xf32, #tpu.memory_space<hbm>>, %arg6: memref<16x128xi32, #tpu.memory_space<vmem>>, %arg7: memref<128x128xf32, #tpu.memory_space<vmem>>, %arg8: memref<128x128xf32, #tpu.memory_space<vmem>>, %arg9: memref<128x128xf32, #tpu.memory_space<vmem>>, %arg10: memref<128x128xf32, #tpu.memory_space<vmem>>, %arg11: memref<128x128xf32, #tpu.memory_space<vmem>>, %arg12: memref<!tpu.dma_semaphore, #tpu.memory_space<semaphore_mem>>, %arg13: memref<!tpu.dma_semaphore, #tpu.memory_space<semaphore_mem>>, %arg14: memref<!tpu.dma_semaphore, #tpu.memory_space<semaphore_mem>>, %arg15: memref<!tpu.dma_semaphore, #tpu.memory_space<semaphore_mem>>, %arg16: memref<!tpu.dma_semaphore, #tpu.memory_space<semaphore_mem>>, %arg17: memref<!tpu.dma_semaphore, #tpu.memory_space<semaphore_mem>>, %arg18: memref<!tpu.dma_semaphore, #tpu.memory_space<semaphore_mem>>, %arg19: memref<!tpu.dma_semaphore, #tpu.memory_space<semaphore_mem>>) attributes {dimension_semantics = [#tpu.dimension_semantics<core_parallel>, #tpu.dimension_semantics<subcore_parallel>], iteration_bounds = array<i64: 2, 16>, scalar_prefetch = 0 : i64, scratch_operands = 14 : i64, tpu.core_type = #tpu.core_type<sc_vector_subcore>, window_params = [{transform_indices = #map}, {transform_indices = #map}, {transform_indices = #map1}, {transform_indices = #map1}]} {
    %mul3A = arith.constant 16 : i32
    %mul3A_0 = arith.muli %arg0, %mul3A : i32
    %mul3A_1 = arith.constant 128 : i32
    %mul3A_2 = arith.muli %arg1, %mul3A_1 : i32
    "tpu.region"() ({
      %run_scoped3A_56 = tpu.sem_alloc : memref<!tpu.dma_semaphore, #tpu.memory_space<semaphore_mem>>
      %dma_start3A_57 = tpu.memref_slice %arg2[%mul3A_0, %mul3A_2] : memref<32x2048xi32, #tpu.memory_space<hbm>> -> memref<16x128xi32, #tpu.memory_space<hbm>>
      %dma_start3A_58 = tpu.memref_slice %arg2[%mul3A_0, %mul3A_2] : memref<32x2048xi32, #tpu.memory_space<hbm>> -> memref<16x128xi32, #tpu.memory_space<hbm>>
      tpu.enqueue_dma source(%dma_start3A_58 : memref<16x128xi32, #tpu.memory_space<hbm>>) target(%arg6 : memref<16x128xi32, #tpu.memory_space<vmem>>) target_semaphore(%run_scoped3A_56 : memref<!tpu.dma_semaphore, #tpu.memory_space<semaphore_mem>>)
      %dma_wait3A_59 = tpu.memref_slice %arg2[%mul3A_0, %mul3A_2] : memref<32x2048xi32, #tpu.memory_space<hbm>> -> memref<16x128xi32, #tpu.memory_space<hbm>>
      %dma_wait3A_60 = tpu.memref_slice %arg2[%mul3A_0, %mul3A_2] : memref<32x2048xi32, #tpu.memory_space<hbm>> -> memref<16x128xi32, #tpu.memory_space<hbm>>
      tpu.wait_dma2 semaphore(%run_scoped3A_56 : memref<!tpu.dma_semaphore, #tpu.memory_space<semaphore_mem>>) src(%dma_wait3A_60 : memref<16x128xi32, #tpu.memory_space<hbm>>) dst(%arg6 : memref<16x128xi32, #tpu.memory_space<vmem>>)
      tpu.yield
    }) : () -> ()
    %dma_start3A = arith.constant 0 : i32
    %dma_start3A_3 = arith.constant 0 : i32
    %dma_start3A_4 = tpu.memref_slice %arg6[%dma_start3A, %dma_start3A_3] : memref<16x128xi32, #tpu.memory_space<vmem>> -> memref<1x128xi32, #tpu.memory_space<vmem>>
    %dma_start3A_5 = tpu.memref_squeeze %dma_start3A_4 : memref<1x128xi32, #tpu.memory_space<vmem>> -> memref<128xi32, #tpu.memory_space<vmem>>
    %dma_start3A_6 = arith.constant 0 : i32
    %dma_start3A_7 = arith.constant 0 : i32
    %dma_start3A_8 = tpu.memref_slice %arg3[%dma_start3A_6, %dma_start3A_7] : memref<100000x128xf32, #tpu.memory_space<hbm>> -> memref<100000x128xf32, #tpu.memory_space<hbm>>
    tpu.enqueue_indirect_dma source(%dma_start3A_8 : memref<100000x128xf32, #tpu.memory_space<hbm>>) target(%arg8 : memref<128x128xf32, #tpu.memory_space<vmem>>) offsets(%dma_start3A_5 : memref<128xi32, #tpu.memory_space<vmem>>) semaphore(%arg12 : memref<!tpu.dma_semaphore, #tpu.memory_space<semaphore_mem>>)
    %dma_start3A_9 = arith.constant 1 : i32
    %dma_start3A_10 = arith.constant 0 : i32
    %dma_start3A_11 = tpu.memref_slice %arg6[%dma_start3A_9, %dma_start3A_10] : memref<16x128xi32, #tpu.memory_space<vmem>> -> memref<1x128xi32, #tpu.memory_space<vmem>>
    %dma_start3A_12 = tpu.memref_squeeze %dma_start3A_11 : memref<1x128xi32, #tpu.memory_space<vmem>> -> memref<128xi32, #tpu.memory_space<vmem>>
    %dma_start3A_13 = arith.constant 0 : i32
    %dma_start3A_14 = arith.constant 0 : i32
    %dma_start3A_15 = tpu.memref_slice %arg3[%dma_start3A_13, %dma_start3A_14] : memref<100000x128xf32, #tpu.memory_space<hbm>> -> memref<100000x128xf32, #tpu.memory_space<hbm>>
    tpu.enqueue_indirect_dma source(%dma_start3A_15 : memref<100000x128xf32, #tpu.memory_space<hbm>>) target(%arg9 : memref<128x128xf32, #tpu.memory_space<vmem>>) offsets(%dma_start3A_12 : memref<128xi32, #tpu.memory_space<vmem>>) semaphore(%arg13 : memref<!tpu.dma_semaphore, #tpu.memory_space<semaphore_mem>>)
    %run_scoped3A = arith.constant 0 : i32
    "tpu.region"() ({
      %run_scoped3A_56 = tpu.sem_alloc : memref<!tpu.dma_semaphore, #tpu.memory_space<semaphore_mem>>
      %dma_start3A_57 = arith.constant 0 : i32
      %dma_start3A_58 = tpu.memref_slice %arg4[%run_scoped3A, %mul3A_2, %dma_start3A_57] : memref<1x2048x128xf32, #tpu.memory_space<hbm>> -> memref<1x128x128xf32, #tpu.memory_space<hbm>>
      %dma_start3A_59 = tpu.memref_squeeze %dma_start3A_58 : memref<1x128x128xf32, #tpu.memory_space<hbm>> -> memref<128x128xf32, #tpu.memory_space<hbm>>
      %dma_start3A_60 = arith.constant 0 : i32
      %dma_start3A_61 = tpu.memref_slice %arg4[%run_scoped3A, %mul3A_2, %dma_start3A_60] : memref<1x2048x128xf32, #tpu.memory_space<hbm>> -> memref<1x128x128xf32, #tpu.memory_space<hbm>>
      %dma_start3A_62 = tpu.memref_squeeze %dma_start3A_61 : memref<1x128x128xf32, #tpu.memory_space<hbm>> -> memref<128x128xf32, #tpu.memory_space<hbm>>
      tpu.enqueue_dma source(%dma_start3A_62 : memref<128x128xf32, #tpu.memory_space<hbm>>) target(%arg7 : memref<128x128xf32, #tpu.memory_space<vmem>>) target_semaphore(%run_scoped3A_56 : memref<!tpu.dma_semaphore, #tpu.memory_space<semaphore_mem>>)
      %dma_wait3A_63 = arith.constant 0 : i32
      %dma_wait3A_64 = tpu.memref_slice %arg4[%run_scoped3A, %mul3A_2, %dma_wait3A_63] : memref<1x2048x128xf32, #tpu.memory_space<hbm>> -> memref<1x128x128xf32, #tpu.memory_space<hbm>>
      %dma_wait3A_65 = tpu.memref_squeeze %dma_wait3A_64 : memref<1x128x128xf32, #tpu.memory_space<hbm>> -> memref<128x128xf32, #tpu.memory_space<hbm>>
      %dma_wait3A_66 = arith.constant 0 : i32
      %dma_wait3A_67 = tpu.memref_slice %arg4[%run_scoped3A, %mul3A_2, %dma_wait3A_66] : memref<1x2048x128xf32, #tpu.memory_space<hbm>> -> memref<1x128x128xf32, #tpu.memory_space<hbm>>
      %dma_wait3A_68 = tpu.memref_squeeze %dma_wait3A_67 : memref<1x128x128xf32, #tpu.memory_space<hbm>> -> memref<128x128xf32, #tpu.memory_space<hbm>>
      tpu.wait_dma2 semaphore(%run_scoped3A_56 : memref<!tpu.dma_semaphore, #tpu.memory_space<semaphore_mem>>) src(%dma_wait3A_68 : memref<128x128xf32, #tpu.memory_space<hbm>>) dst(%arg7 : memref<128x128xf32, #tpu.memory_space<vmem>>)
      tpu.yield
    }) : () -> ()
    %scan3A = arith.constant 0 : i32
    %scan3A_16 = arith.constant 0 : i32
    %scan3A_17 = arith.constant 4 : i32
    %scan3A_18 = arith.addi %scan3A_16, %scan3A_17 : i32
    %scan3A_19 = arith.constant 1 : i32
    scf.for %scan3A_56 = %scan3A_16 to %scan3A_18 step %scan3A_19  : i32 {
      %mul3A_57 = arith.constant 4 : i32
      %mul3A_58 = arith.muli %scan3A_56, %mul3A_57 : i32
      %add3A = arith.constant 0 : i32
      %add3A_59 = arith.addi %mul3A_58, %add3A : i32
      %ge3A = arith.constant 1 : i32
      %ge3A_60 = arith.cmpi sge, %scan3A_56, %ge3A : i32
      %convert_element_type3A = arith.extui %ge3A_60 : i1 to i32
      %cond3A = arith.constant 0 : i32
      %cond3A_61 = arith.cmpi ne, %convert_element_type3A, %cond3A : i32
      scf.if %cond3A_61 {
        %dma_wait3A_180 = arith.constant 0 : i32
        %dma_wait3A_181 = arith.constant 0 : i32
        %dma_wait3A_182 = arith.constant 0 : i32
        %dma_wait3A_183 = tpu.memref_slice %arg5[%dma_wait3A_180, %dma_wait3A_181, %dma_wait3A_182] : memref<32x2048x128xf32, #tpu.memory_space<hbm>> -> memref<1x128x128xf32, #tpu.memory_space<hbm>>
        %dma_wait3A_184 = tpu.memref_squeeze %dma_wait3A_183 : memref<1x128x128xf32, #tpu.memory_space<hbm>> -> memref<128x128xf32, #tpu.memory_space<hbm>>
        %dma_wait3A_185 = arith.constant 0 : i32
        %dma_wait3A_186 = arith.constant 0 : i32
        %dma_wait3A_187 = tpu.memref_slice %arg5[%dma_wait3A_180, %dma_wait3A_185, %dma_wait3A_186] : memref<32x2048x128xf32, #tpu.memory_space<hbm>> -> memref<1x128x128xf32, #tpu.memory_space<hbm>>
        %dma_wait3A_188 = tpu.memref_squeeze %dma_wait3A_187 : memref<1x128x128xf32, #tpu.memory_space<hbm>> -> memref<128x128xf32, #tpu.memory_space<hbm>>
        tpu.wait_dma2 semaphore(%arg18 : memref<!tpu.dma_semaphore, #tpu.memory_space<semaphore_mem>>) src(%arg10 : memref<128x128xf32, #tpu.memory_space<vmem>>) dst(%dma_wait3A_188 : memref<128x128xf32, #tpu.memory_space<hbm>>)
      } else {
      }
      %add3A_62 = arith.constant 2 : i32
      %add3A_63 = arith.addi %add3A_59, %add3A_62 : i32
      %dma_start3A_64 = arith.constant 0 : i32
      %dma_start3A_65 = tpu.memref_slice %arg6[%add3A_63, %dma_start3A_64] : memref<16x128xi32, #tpu.memory_space<vmem>> -> memref<1x128xi32, #tpu.memory_space<vmem>>
      %dma_start3A_66 = tpu.memref_squeeze %dma_start3A_65 : memref<1x128xi32, #tpu.memory_space<vmem>> -> memref<128xi32, #tpu.memory_space<vmem>>
      %dma_start3A_67 = arith.constant 0 : i32
      %dma_start3A_68 = arith.constant 0 : i32
      %dma_start3A_69 = tpu.memref_slice %arg3[%dma_start3A_67, %dma_start3A_68] : memref<100000x128xf32, #tpu.memory_space<hbm>> -> memref<100000x128xf32, #tpu.memory_space<hbm>>
      tpu.enqueue_indirect_dma source(%dma_start3A_69 : memref<100000x128xf32, #tpu.memory_space<hbm>>) target(%arg10 : memref<128x128xf32, #tpu.memory_space<vmem>>) offsets(%dma_start3A_66 : memref<128xi32, #tpu.memory_space<vmem>>) semaphore(%arg14 : memref<!tpu.dma_semaphore, #tpu.memory_space<semaphore_mem>>)
      %dma_wait3A_70 = arith.constant 0 : i32
      %dma_wait3A_71 = tpu.memref_slice %arg6[%add3A_59, %dma_wait3A_70] : memref<16x128xi32, #tpu.memory_space<vmem>> -> memref<1x128xi32, #tpu.memory_space<vmem>>
      %dma_wait3A_72 = tpu.memref_squeeze %dma_wait3A_71 : memref<1x128xi32, #tpu.memory_space<vmem>> -> memref<128xi32, #tpu.memory_space<vmem>>
      %dma_wait3A_73 = arith.constant 0 : i32
      %dma_wait3A_74 = arith.constant 0 : i32
      %dma_wait3A_75 = tpu.memref_slice %arg3[%dma_wait3A_73, %dma_wait3A_74] : memref<100000x128xf32, #tpu.memory_space<hbm>> -> memref<100000x128xf32, #tpu.memory_space<hbm>>
      tpu.wait_indirect_dma semaphore(%arg12 : memref<!tpu.dma_semaphore, #tpu.memory_space<semaphore_mem>>) src(%dma_wait3A_75 : memref<100000x128xf32, #tpu.memory_space<hbm>>) dst(%arg8 : memref<128x128xf32, #tpu.memory_space<vmem>>)
      %scan3A_76 = arith.constant 0 : i32
      %scan3A_77 = arith.constant 0 : i32
      %scan3A_78 = arith.constant 32 : i32
      %scan3A_79 = arith.addi %scan3A_77, %scan3A_78 : i32
      %scan3A_80 = arith.constant 1 : i32
      scf.for %scan3A_180 = %scan3A_77 to %scan3A_79 step %scan3A_80  : i32 {
        %mul3A_181 = arith.constant 4 : i32
        %mul3A_182 = arith.muli %scan3A_180, %mul3A_181 : i32
        %add3A_183 = arith.constant 0 : i32
        %add3A_184 = arith.addi %mul3A_182, %add3A_183 : i32
        %get3A = arith.index_cast %add3A_184 : i32 to index
        %get3A_185 = arith.constant 0 : index
        %get3A_186 = tpu.vector_load %arg7[%get3A, %get3A_185] {strides = array<i32>} : memref<128x128xf32, #tpu.memory_space<vmem>>, vector<1x16xf32>,
        %get3A_187 = vector.shape_cast %get3A_186 : vector<1x16xf32> to vector<16xf32>
        %swap3A = arith.index_cast %add3A_184 : i32 to index
        %swap3A_188 = arith.constant 0 : index
        %swap3A_189 = tpu.vector_load %arg8[%swap3A, %swap3A_188] {strides = array<i32>} : memref<128x128xf32, #tpu.memory_space<vmem>>, vector<1x16xf32>,
        %swap3A_190 = vector.shape_cast %swap3A_189 : vector<1x16xf32> to vector<16xf32>
        %swap3A_191 = vector.shape_cast %get3A_187 : vector<16xf32> to vector<1x16xf32>
        tpu.vector_store %arg8[%swap3A, %swap3A_188], %swap3A_191 {add = true, strides = array<i32>} : memref<128x128xf32, #tpu.memory_space<vmem>>, vector<1x16xf32>,
        %get3A_192 = arith.index_cast %add3A_184 : i32 to index
        %get3A_193 = arith.constant 16 : index
        %get3A_194 = tpu.vector_load %arg7[%get3A_192, %get3A_193] {strides = array<i32>} : memref<128x128xf32, #tpu.memory_space<vmem>>, vector<1x16xf32>,
        %get3A_195 = vector.shape_cast %get3A_194 : vector<1x16xf32> to vector<16xf32>
        %swap3A_196 = arith.index_cast %add3A_184 : i32 to index
        %swap3A_197 = arith.constant 16 : index
        %swap3A_198 = tpu.vector_load %arg8[%swap3A_196, %swap3A_197] {strides = array<i32>} : memref<128x128xf32, #tpu.memory_space<vmem>>, vector<1x16xf32>,
        %swap3A_199 = vector.shape_cast %swap3A_198 : vector<1x16xf32> to vector<16xf32>
        %swap3A_200 = vector.shape_cast %get3A_195 : vector<16xf32> to vector<1x16xf32>
        tpu.vector_store %arg8[%swap3A_196, %swap3A_197], %swap3A_200 {add = true, strides = array<i32>} : memref<128x128xf32, #tpu.memory_space<vmem>>, vector<1x16xf32>,
        %get3A_201 = arith.index_cast %add3A_184 : i32 to index
        %get3A_202 = arith.constant 32 : index
        %get3A_203 = tpu.vector_load %arg7[%get3A_201, %get3A_202] {strides = array<i32>} : memref<128x128xf32, #tpu.memory_space<vmem>>, vector<1x16xf32>,
        %get3A_204 = vector.shape_cast %get3A_203 : vector<1x16xf32> to vector<16xf32>
        %swap3A_205 = arith.index_cast %add3A_184 : i32 to index
        %swap3A_206 = arith.constant 32 : index
        %swap3A_207 = tpu.vector_load %arg8[%swap3A_205, %swap3A_206] {strides = array<i32>} : memref<128x128xf32, #tpu.memory_space<vmem>>, vector<1x16xf32>,
        %swap3A_208 = vector.shape_cast %swap3A_207 : vector<1x16xf32> to vector<16xf32>
        %swap3A_209 = vector.shape_cast %get3A_204 : vector<16xf32> to vector<1x16xf32>
        tpu.vector_store %arg8[%swap3A_205, %swap3A_206], %swap3A_209 {add = true, strides = array<i32>} : memref<128x128xf32, #tpu.memory_space<vmem>>, vector<1x16xf32>,
        %get3A_210 = arith.index_cast %add3A_184 : i32 to index
        %get3A_211 = arith.constant 48 : index
        %get3A_212 = tpu.vector_load %arg7[%get3A_210, %get3A_211] {strides = array<i32>} : memref<128x128xf32, #tpu.memory_space<vmem>>, vector<1x16xf32>,
        %get3A_213 = vector.shape_cast %get3A_212 : vector<1x16xf32> to vector<16xf32>
        %swap3A_214 = arith.index_cast %add3A_184 : i32 to index
        %swap3A_215 = arith.constant 48 : index
        %swap3A_216 = tpu.vector_load %arg8[%swap3A_214, %swap3A_215] {strides = array<i32>} : memref<128x128xf32, #tpu.memory_space<vmem>>, vector<1x16xf32>,
        %swap3A_217 = vector.shape_cast %swap3A_216 : vector<1x16xf32> to vector<16xf32>
        %swap3A_218 = vector.shape_cast %get3A_213 : vector<16xf32> to vector<1x16xf32>
        tpu.vector_store %arg8[%swap3A_214, %swap3A_215], %swap3A_218 {add = true, strides = array<i32>} : memref<128x128xf32, #tpu.memory_space<vmem>>, vector<1x16xf32>,
        %get3A_219 = arith.index_cast %add3A_184 : i32 to index
        %get3A_220 = arith.constant 64 : index
        %get3A_221 = tpu.vector_load %arg7[%get3A_219, %get3A_220] {strides = array<i32>} : memref<128x128xf32, #tpu.memory_space<vmem>>, vector<1x16xf32>,
        %get3A_222 = vector.shape_cast %get3A_221 : vector<1x16xf32> to vector<16xf32>
        %swap3A_223 = arith.index_cast %add3A_184 : i32 to index
        %swap3A_224 = arith.constant 64 : index
        %swap3A_225 = tpu.vector_load %arg8[%swap3A_223, %swap3A_224] {strides = array<i32>} : memref<128x128xf32, #tpu.memory_space<vmem>>, vector<1x16xf32>,
        %swap3A_226 = vector.shape_cast %swap3A_225 : vector<1x16xf32> to vector<16xf32>
        %swap3A_227 = vector.shape_cast %get3A_222 : vector<16xf32> to vector<1x16xf32>
        tpu.vector_store %arg8[%swap3A_223, %swap3A_224], %swap3A_227 {add = true, strides = array<i32>} : memref<128x128xf32, #tpu.memory_space<vmem>>, vector<1x16xf32>,
        %get3A_228 = arith.index_cast %add3A_184 : i32 to index
        %get3A_229 = arith.constant 80 : index
        %get3A_230 = tpu.vector_load %arg7[%get3A_228, %get3A_229] {strides = array<i32>} : memref<128x128xf32, #tpu.memory_space<vmem>>, vector<1x16xf32>,
        %get3A_231 = vector.shape_cast %get3A_230 : vector<1x16xf32> to vector<16xf32>
        %swap3A_232 = arith.index_cast %add3A_184 : i32 to index
        %swap3A_233 = arith.constant 80 : index
        %swap3A_234 = tpu.vector_load %arg8[%swap3A_232, %swap3A_233] {strides = array<i32>} : memref<128x128xf32, #tpu.memory_space<vmem>>, vector<1x16xf32>,
        %swap3A_235 = vector.shape_cast %swap3A_234 : vector<1x16xf32> to vector<16xf32>
        %swap3A_236 = vector.shape_cast %get3A_231 : vector<16xf32> to vector<1x16xf32>
        tpu.vector_store %arg8[%swap3A_232, %swap3A_233], %swap3A_236 {add = true, strides = array<i32>} : memref<128x128xf32, #tpu.memory_space<vmem>>, vector<1x16xf32>,
        %get3A_237 = arith.index_cast %add3A_184 : i32 to index
        %get3A_238 = arith.constant 96 : index
        %get3A_239 = tpu.vector_load %arg7[%get3A_237, %get3A_238] {strides = array<i32>} : memref<128x128xf32, #tpu.memory_space<vmem>>, vector<1x16xf32>,
        %get3A_240 = vector.shape_cast %get3A_239 : vector<1x16xf32> to vector<16xf32>
        %swap3A_241 = arith.index_cast %add3A_184 : i32 to index
        %swap3A_242 = arith.constant 96 : index
        %swap3A_243 = tpu.vector_load %arg8[%swap3A_241, %swap3A_242] {strides = array<i32>} : memref<128x128xf32, #tpu.memory_space<vmem>>, vector<1x16xf32>,
        %swap3A_244 = vector.shape_cast %swap3A_243 : vector<1x16xf32> to vector<16xf32>
        %swap3A_245 = vector.shape_cast %get3A_240 : vector<16xf32> to vector<1x16xf32>
        tpu.vector_store %arg8[%swap3A_241, %swap3A_242], %swap3A_245 {add = true, strides = array<i32>} : memref<128x128xf32, #tpu.memory_space<vmem>>, vector<1x16xf32>,
        %get3A_246 = arith.index_cast %add3A_184 : i32 to index
        %get3A_247 = arith.constant 112 : index
        %get3A_248 = tpu.vector_load %arg7[%get3A_246, %get3A_247] {strides = array<i32>} : memref<128x128xf32, #tpu.memory_space<vmem>>, vector<1x16xf32>,
        %get3A_249 = vector.shape_cast %get3A_248 : vector<1x16xf32> to vector<16xf32>
        %swap3A_250 = arith.index_cast %add3A_184 : i32 to index
        %swap3A_251 = arith.constant 112 : index
        %swap3A_252 = tpu.vector_load %arg8[%swap3A_250, %swap3A_251] {strides = array<i32>} : memref<128x128xf32, #tpu.memory_space<vmem>>, vector<1x16xf32>,
        %swap3A_253 = vector.shape_cast %swap3A_252 : vector<1x16xf32> to vector<16xf32>
        %swap3A_254 = vector.shape_cast %get3A_249 : vector<16xf32> to vector<1x16xf32>
        tpu.vector_store %arg8[%swap3A_250, %swap3A_251], %swap3A_254 {add = true, strides = array<i32>} : memref<128x128xf32, #tpu.memory_space<vmem>>, vector<1x16xf32>,
        %mul3A_255 = arith.constant 4 : i32
        %mul3A_256 = arith.muli %scan3A_180, %mul3A_255 : i32
        %add3A_257 = arith.constant 1 : i32
        %add3A_258 = arith.addi %mul3A_256, %add3A_257 : i32
        %get3A_259 = arith.index_cast %add3A_258 : i32 to index
        %get3A_260 = arith.constant 0 : index
        %get3A_261 = tpu.vector_load %arg7[%get3A_259, %get3A_260] {strides = array<i32>} : memref<128x128xf32, #tpu.memory_space<vmem>>, vector<1x16xf32>,
        %get3A_262 = vector.shape_cast %get3A_261 : vector<1x16xf32> to vector<16xf32>
        %swap3A_263 = arith.index_cast %add3A_258 : i32 to index
        %swap3A_264 = arith.constant 0 : index
        %swap3A_265 = tpu.vector_load %arg8[%swap3A_263, %swap3A_264] {strides = array<i32>} : memref<128x128xf32, #tpu.memory_space<vmem>>, vector<1x16xf32>,
        %swap3A_266 = vector.shape_cast %swap3A_265 : vector<1x16xf32> to vector<16xf32>
        %swap3A_267 = vector.shape_cast %get3A_262 : vector<16xf32> to vector<1x16xf32>
        tpu.vector_store %arg8[%swap3A_263, %swap3A_264], %swap3A_267 {add = true, strides = array<i32>} : memref<128x128xf32, #tpu.memory_space<vmem>>, vector<1x16xf32>,
        %get3A_268 = arith.index_cast %add3A_258 : i32 to index
        %get3A_269 = arith.constant 16 : index
        %get3A_270 = tpu.vector_load %arg7[%get3A_268, %get3A_269] {strides = array<i32>} : memref<128x128xf32, #tpu.memory_space<vmem>>, vector<1x16xf32>,
        %get3A_271 = vector.shape_cast %get3A_270 : vector<1x16xf32> to vector<16xf32>
        %swap3A_272 = arith.index_cast %add3A_258 : i32 to index
        %swap3A_273 = arith.constant 16 : index
        %swap3A_274 = tpu.vector_load %arg8[%swap3A_272, %swap3A_273] {strides = array<i32>} : memref<128x128xf32, #tpu.memory_space<vmem>>, vector<1x16xf32>,
        %swap3A_275 = vector.shape_cast %swap3A_274 : vector<1x16xf32> to vector<16xf32>
        %swap3A_276 = vector.shape_cast %get3A_271 : vector<16xf32> to vector<1x16xf32>
        tpu.vector_store %arg8[%swap3A_272, %swap3A_273], %swap3A_276 {add = true, strides = array<i32>} : memref<128x128xf32, #tpu.memory_space<vmem>>, vector<1x16xf32>,
        %get3A_277 = arith.index_cast %add3A_258 : i32 to index
        %get3A_278 = arith.constant 32 : index
        %get3A_279 = tpu.vector_load %arg7[%get3A_277, %get3A_278] {strides = array<i32>} : memref<128x128xf32, #tpu.memory_space<vmem>>, vector<1x16xf32>,
        %get3A_280 = vector.shape_cast %get3A_279 : vector<1x16xf32> to vector<16xf32>
        %swap3A_281 = arith.index_cast %add3A_258 : i32 to index
        %swap3A_282 = arith.constant 32 : index
        %swap3A_283 = tpu.vector_load %arg8[%swap3A_281, %swap3A_282] {strides = array<i32>} : memref<128x128xf32, #tpu.memory_space<vmem>>, vector<1x16xf32>,
        %swap3A_284 = vector.shape_cast %swap3A_283 : vector<1x16xf32> to vector<16xf32>
        %swap3A_285 = vector.shape_cast %get3A_280 : vector<16xf32> to vector<1x16xf32>
        tpu.vector_store %arg8[%swap3A_281, %swap3A_282], %swap3A_285 {add = true, strides = array<i32>} : memref<128x128xf32, #tpu.memory_space<vmem>>, vector<1x16xf32>,
        %get3A_286 = arith.index_cast %add3A_258 : i32 to index
        %get3A_287 = arith.constant 48 : index
        %get3A_288 = tpu.vector_load %arg7[%get3A_286, %get3A_287] {strides = array<i32>} : memref<128x128xf32, #tpu.memory_space<vmem>>, vector<1x16xf32>,
        %get3A_289 = vector.shape_cast %get3A_288 : vector<1x16xf32> to vector<16xf32>
        %swap3A_290 = arith.index_cast %add3A_258 : i32 to index
        %swap3A_291 = arith.constant 48 : index
        %swap3A_292 = tpu.vector_load %arg8[%swap3A_290, %swap3A_291] {strides = array<i32>} : memref<128x128xf32, #tpu.memory_space<vmem>>, vector<1x16xf32>,
        %swap3A_293 = vector.shape_cast %swap3A_292 : vector<1x16xf32> to vector<16xf32>
        %swap3A_294 = vector.shape_cast %get3A_289 : vector<16xf32> to vector<1x16xf32>
        tpu.vector_store %arg8[%swap3A_290, %swap3A_291], %swap3A_294 {add = true, strides = array<i32>} : memref<128x128xf32, #tpu.memory_space<vmem>>, vector<1x16xf32>,
        %get3A_295 = arith.index_cast %add3A_258 : i32 to index
        %get3A_296 = arith.constant 64 : index
        %get3A_297 = tpu.vector_load %arg7[%get3A_295, %get3A_296] {strides = array<i32>} : memref<128x128xf32, #tpu.memory_space<vmem>>, vector<1x16xf32>,
        %get3A_298 = vector.shape_cast %get3A_297 : vector<1x16xf32> to vector<16xf32>
        %swap3A_299 = arith.index_cast %add3A_258 : i32 to index
        %swap3A_300 = arith.constant 64 : index
        %swap3A_301 = tpu.vector_load %arg8[%swap3A_299, %swap3A_300] {strides = array<i32>} : memref<128x128xf32, #tpu.memory_space<vmem>>, vector<1x16xf32>,
        %swap3A_302 = vector.shape_cast %swap3A_301 : vector<1x16xf32> to vector<16xf32>
        %swap3A_303 = vector.shape_cast %get3A_298 : vector<16xf32> to vector<1x16xf32>
        tpu.vector_store %arg8[%swap3A_299, %swap3A_300], %swap3A_303 {add = true, strides = array<i32>} : memref<128x128xf32, #tpu.memory_space<vmem>>, vector<1x16xf32>,
        %get3A_304 = arith.index_cast %add3A_258 : i32 to index
        %get3A_305 = arith.constant 80 : index
        %get3A_306 = tpu.vector_load %arg7[%get3A_304, %get3A_305] {strides = array<i32>} : memref<128x128xf32, #tpu.memory_space<vmem>>, vector<1x16xf32>,
        %get3A_307 = vector.shape_cast %get3A_306 : vector<1x16xf32> to vector<16xf32>
        %swap3A_308 = arith.index_cast %add3A_258 : i32 to index
        %swap3A_309 = arith.constant 80 : index
        %swap3A_310 = tpu.vector_load %arg8[%swap3A_308, %swap3A_309] {strides = array<i32>} : memref<128x128xf32, #tpu.memory_space<vmem>>, vector<1x16xf32>,
        %swap3A_311 = vector.shape_cast %swap3A_310 : vector<1x16xf32> to vector<16xf32>
        %swap3A_312 = vector.shape_cast %get3A_307 : vector<16xf32> to vector<1x16xf32>
        tpu.vector_store %arg8[%swap3A_308, %swap3A_309], %swap3A_312 {add = true, strides = array<i32>} : memref<128x128xf32, #tpu.memory_space<vmem>>, vector<1x16xf32>,
        %get3A_313 = arith.index_cast %add3A_258 : i32 to index
        %get3A_314 = arith.constant 96 : index
        %get3A_315 = tpu.vector_load %arg7[%get3A_313, %get3A_314] {strides = array<i32>} : memref<128x128xf32, #tpu.memory_space<vmem>>, vector<1x16xf32>,
        %get3A_316 = vector.shape_cast %get3A_315 : vector<1x16xf32> to vector<16xf32>
        %swap3A_317 = arith.index_cast %add3A_258 : i32 to index
        %swap3A_318 = arith.constant 96 : index
        %swap3A_319 = tpu.vector_load %arg8[%swap3A_317, %swap3A_318] {strides = array<i32>} : memref<128x128xf32, #tpu.memory_space<vmem>>, vector<1x16xf32>,
        %swap3A_320 = vector.shape_cast %swap3A_319 : vector<1x16xf32> to vector<16xf32>
        %swap3A_321 = vector.shape_cast %get3A_316 : vector<16xf32> to vector<1x16xf32>
        tpu.vector_store %arg8[%swap3A_317, %swap3A_318], %swap3A_321 {add = true, strides = array<i32>} : memref<128x128xf32, #tpu.memory_space<vmem>>, vector<1x16xf32>,
        %get3A_322 = arith.index_cast %add3A_258 : i32 to index
        %get3A_323 = arith.constant 112 : index
        %get3A_324 = tpu.vector_load %arg7[%get3A_322, %get3A_323] {strides = array<i32>} : memref<128x128xf32, #tpu.memory_space<vmem>>, vector<1x16xf32>,
        %get3A_325 = vector.shape_cast %get3A_324 : vector<1x16xf32> to vector<16xf32>
        %swap3A_326 = arith.index_cast %add3A_258 : i32 to index
        %swap3A_327 = arith.constant 112 : index
        %swap3A_328 = tpu.vector_load %arg8[%swap3A_326, %swap3A_327] {strides = array<i32>} : memref<128x128xf32, #tpu.memory_space<vmem>>, vector<1x16xf32>,
        %swap3A_329 = vector.shape_cast %swap3A_328 : vector<1x16xf32> to vector<16xf32>
        %swap3A_330 = vector.shape_cast %get3A_325 : vector<16xf32> to vector<1x16xf32>
        tpu.vector_store %arg8[%swap3A_326, %swap3A_327], %swap3A_330 {add = true, strides = array<i32>} : memref<128x128xf32, #tpu.memory_space<vmem>>, vector<1x16xf32>,
        %mul3A_331 = arith.constant 4 : i32
        %mul3A_332 = arith.muli %scan3A_180, %mul3A_331 : i32
        %add3A_333 = arith.constant 2 : i32
        %add3A_334 = arith.addi %mul3A_332, %add3A_333 : i32
        %get3A_335 = arith.index_cast %add3A_334 : i32 to index
        %get3A_336 = arith.constant 0 : index
        %get3A_337 = tpu.vector_load %arg7[%get3A_335, %get3A_336] {strides = array<i32>} : memref<128x128xf32, #tpu.memory_space<vmem>>, vector<1x16xf32>,
        %get3A_338 = vector.shape_cast %get3A_337 : vector<1x16xf32> to vector<16xf32>
        %swap3A_339 = arith.index_cast %add3A_334 : i32 to index
        %swap3A_340 = arith.constant 0 : index
        %swap3A_341 = tpu.vector_load %arg8[%swap3A_339, %swap3A_340] {strides = array<i32>} : memref<128x128xf32, #tpu.memory_space<vmem>>, vector<1x16xf32>,
        %swap3A_342 = vector.shape_cast %swap3A_341 : vector<1x16xf32> to vector<16xf32>
        %swap3A_343 = vector.shape_cast %get3A_338 : vector<16xf32> to vector<1x16xf32>
        tpu.vector_store %arg8[%swap3A_339, %swap3A_340], %swap3A_343 {add = true, strides = array<i32>} : memref<128x128xf32, #tpu.memory_space<vmem>>, vector<1x16xf32>,
        %get3A_344 = arith.index_cast %add3A_334 : i32 to index
        %get3A_345 = arith.constant 16 : index
        %get3A_346 = tpu.vector_load %arg7[%get3A_344, %get3A_345] {strides = array<i32>} : memref<128x128xf32, #tpu.memory_space<vmem>>, vector<1x16xf32>,
        %get3A_347 = vector.shape_cast %get3A_346 : vector<1x16xf32> to vector<16xf32>
        %swap3A_348 = arith.index_cast %add3A_334 : i32 to index
        %swap3A_349 = arith.constant 16 : index
        %swap3A_350 = tpu.vector_load %arg8[%swap3A_348, %swap3A_349] {strides = array<i32>} : memref<128x128xf32, #tpu.memory_space<vmem>>, vector<1x16xf32>,
        %swap3A_351 = vector.shape_cast %swap3A_350 : vector<1x16xf32> to vector<16xf32>
        %swap3A_352 = vector.shape_cast %get3A_347 : vector<16xf32> to vector<1x16xf32>
        tpu.vector_store %arg8[%swap3A_348, %swap3A_349], %swap3A_352 {add = true, strides = array<i32>} : memref<128x128xf32, #tpu.memory_space<vmem>>, vector<1x16xf32>,
        %get3A_353 = arith.index_cast %add3A_334 : i32 to index
        %get3A_354 = arith.constant 32 : index
        %get3A_355 = tpu.vector_load %arg7[%get3A_353, %get3A_354] {strides = array<i32>} : memref<128x128xf32, #tpu.memory_space<vmem>>, vector<1x16xf32>,
        %get3A_356 = vector.shape_cast %get3A_355 : vector<1x16xf32> to vector<16xf32>
        %swap3A_357 = arith.index_cast %add3A_334 : i32 to index
        %swap3A_358 = arith.constant 32 : index
        %swap3A_359 = tpu.vector_load %arg8[%swap3A_357, %swap3A_358] {strides = array<i32>} : memref<128x128xf32, #tpu.memory_space<vmem>>, vector<1x16xf32>,
        %swap3A_360 = vector.shape_cast %swap3A_359 : vector<1x16xf32> to vector<16xf32>
        %swap3A_361 = vector.shape_cast %get3A_356 : vector<16xf32> to vector<1x16xf32>
        tpu.vector_store %arg8[%swap3A_357, %swap3A_358], %swap3A_361 {add = true, strides = array<i32>} : memref<128x128xf32, #tpu.memory_space<vmem>>, vector<1x16xf32>,
        %get3A_362 = arith.index_cast %add3A_334 : i32 to index
        %get3A_363 = arith.constant 48 : index
        %get3A_364 = tpu.vector_load %arg7[%get3A_362, %get3A_363] {strides = array<i32>} : memref<128x128xf32, #tpu.memory_space<vmem>>, vector<1x16xf32>,
        %get3A_365 = vector.shape_cast %get3A_364 : vector<1x16xf32> to vector<16xf32>
        %swap3A_366 = arith.index_cast %add3A_334 : i32 to index
        %swap3A_367 = arith.constant 48 : index
        %swap3A_368 = tpu.vector_load %arg8[%swap3A_366, %swap3A_367] {strides = array<i32>} : memref<128x128xf32, #tpu.memory_space<vmem>>, vector<1x16xf32>,
        %swap3A_369 = vector.shape_cast %swap3A_368 : vector<1x16xf32> to vector<16xf32>
        %swap3A_370 = vector.shape_cast %get3A_365 : vector<16xf32> to vector<1x16xf32>
        tpu.vector_store %arg8[%swap3A_366, %swap3A_367], %swap3A_370 {add = true, strides = array<i32>} : memref<128x128xf32, #tpu.memory_space<vmem>>, vector<1x16xf32>,
        %get3A_371 = arith.index_cast %add3A_334 : i32 to index
        %get3A_372 = arith.constant 64 : index
        %get3A_373 = tpu.vector_load %arg7[%get3A_371, %get3A_372] {strides = array<i32>} : memref<128x128xf32, #tpu.memory_space<vmem>>, vector<1x16xf32>,
        %get3A_374 = vector.shape_cast %get3A_373 : vector<1x16xf32> to vector<16xf32>
        %swap3A_375 = arith.index_cast %add3A_334 : i32 to index
        %swap3A_376 = arith.constant 64 : index
        %swap3A_377 = tpu.vector_load %arg8[%swap3A_375, %swap3A_376] {strides = array<i32>} : memref<128x128xf32, #tpu.memory_space<vmem>>, vector<1x16xf32>,
        %swap3A_378 = vector.shape_cast %swap3A_377 : vector<1x16xf32> to vector<16xf32>
        %swap3A_379 = vector.shape_cast %get3A_374 : vector<16xf32> to vector<1x16xf32>
        tpu.vector_store %arg8[%swap3A_375, %swap3A_376], %swap3A_379 {add = true, strides = array<i32>} : memref<128x128xf32, #tpu.memory_space<vmem>>, vector<1x16xf32>,
        %get3A_380 = arith.index_cast %add3A_334 : i32 to index
        %get3A_381 = arith.constant 80 : index
        %get3A_382 = tpu.vector_load %arg7[%get3A_380, %get3A_381] {strides = array<i32>} : memref<128x128xf32, #tpu.memory_space<vmem>>, vector<1x16xf32>,
        %get3A_383 = vector.shape_cast %get3A_382 : vector<1x16xf32> to vector<16xf32>
        %swap3A_384 = arith.index_cast %add3A_334 : i32 to index
        %swap3A_385 = arith.constant 80 : index
        %swap3A_386 = tpu.vector_load %arg8[%swap3A_384, %swap3A_385] {strides = array<i32>} : memref<128x128xf32, #tpu.memory_space<vmem>>, vector<1x16xf32>,
        %swap3A_387 = vector.shape_cast %swap3A_386 : vector<1x16xf32> to vector<16xf32>
        %swap3A_388 = vector.shape_cast %get3A_383 : vector<16xf32> to vector<1x16xf32>
        tpu.vector_store %arg8[%swap3A_384, %swap3A_385], %swap3A_388 {add = true, strides = array<i32>} : memref<128x128xf32, #tpu.memory_space<vmem>>, vector<1x16xf32>,
        %get3A_389 = arith.index_cast %add3A_334 : i32 to index
        %get3A_390 = arith.constant 96 : index
        %get3A_391 = tpu.vector_load %arg7[%get3A_389, %get3A_390] {strides = array<i32>} : memref<128x128xf32, #tpu.memory_space<vmem>>, vector<1x16xf32>,
        %get3A_392 = vector.shape_cast %get3A_391 : vector<1x16xf32> to vector<16xf32>
        %swap3A_393 = arith.index_cast %add3A_334 : i32 to index
        %swap3A_394 = arith.constant 96 : index
        %swap3A_395 = tpu.vector_load %arg8[%swap3A_393, %swap3A_394] {strides = array<i32>} : memref<128x128xf32, #tpu.memory_space<vmem>>, vector<1x16xf32>,
        %swap3A_396 = vector.shape_cast %swap3A_395 : vector<1x16xf32> to vector<16xf32>
        %swap3A_397 = vector.shape_cast %get3A_392 : vector<16xf32> to vector<1x16xf32>
        tpu.vector_store %arg8[%swap3A_393, %swap3A_394], %swap3A_397 {add = true, strides = array<i32>} : memref<128x128xf32, #tpu.memory_space<vmem>>, vector<1x16xf32>,
        %get3A_398 = arith.index_cast %add3A_334 : i32 to index
        %get3A_399 = arith.constant 112 : index
        %get3A_400 = tpu.vector_load %arg7[%get3A_398, %get3A_399] {strides = array<i32>} : memref<128x128xf32, #tpu.memory_space<vmem>>, vector<1x16xf32>,
        %get3A_401 = vector.shape_cast %get3A_400 : vector<1x16xf32> to vector<16xf32>
        %swap3A_402 = arith.index_cast %add3A_334 : i32 to index
        %swap3A_403 = arith.constant 112 : index
        %swap3A_404 = tpu.vector_load %arg8[%swap3A_402, %swap3A_403] {strides = array<i32>} : memref<128x128xf32, #tpu.memory_space<vmem>>, vector<1x16xf32>,
        %swap3A_405 = vector.shape_cast %swap3A_404 : vector<1x16xf32> to vector<16xf32>
        %swap3A_406 = vector.shape_cast %get3A_401 : vector<16xf32> to vector<1x16xf32>
        tpu.vector_store %arg8[%swap3A_402, %swap3A_403], %swap3A_406 {add = true, strides = array<i32>} : memref<128x128xf32, #tpu.memory_space<vmem>>, vector<1x16xf32>,
        %mul3A_407 = arith.constant 4 : i32
        %mul3A_408 = arith.muli %scan3A_180, %mul3A_407 : i32
        %add3A_409 = arith.constant 3 : i32
        %add3A_410 = arith.addi %mul3A_408, %add3A_409 : i32
        %get3A_411 = arith.index_cast %add3A_410 : i32 to index
        %get3A_412 = arith.constant 0 : index
        %get3A_413 = tpu.vector_load %arg7[%get3A_411, %get3A_412] {strides = array<i32>} : memref<128x128xf32, #tpu.memory_space<vmem>>, vector<1x16xf32>,
        %get3A_414 = vector.shape_cast %get3A_413 : vector<1x16xf32> to vector<16xf32>
        %swap3A_415 = arith.index_cast %add3A_410 : i32 to index
        %swap3A_416 = arith.constant 0 : index
        %swap3A_417 = tpu.vector_load %arg8[%swap3A_415, %swap3A_416] {strides = array<i32>} : memref<128x128xf32, #tpu.memory_space<vmem>>, vector<1x16xf32>,
        %swap3A_418 = vector.shape_cast %swap3A_417 : vector<1x16xf32> to vector<16xf32>
        %swap3A_419 = vector.shape_cast %get3A_414 : vector<16xf32> to vector<1x16xf32>
        tpu.vector_store %arg8[%swap3A_415, %swap3A_416], %swap3A_419 {add = true, strides = array<i32>} : memref<128x128xf32, #tpu.memory_space<vmem>>, vector<1x16xf32>,
        %get3A_420 = arith.index_cast %add3A_410 : i32 to index
        %get3A_421 = arith.constant 16 : index
        %get3A_422 = tpu.vector_load %arg7[%get3A_420, %get3A_421] {strides = array<i32>} : memref<128x128xf32, #tpu.memory_space<vmem>>, vector<1x16xf32>,
        %get3A_423 = vector.shape_cast %get3A_422 : vector<1x16xf32> to vector<16xf32>
        %swap3A_424 = arith.index_cast %add3A_410 : i32 to index
        %swap3A_425 = arith.constant 16 : index
        %swap3A_426 = tpu.vector_load %arg8[%swap3A_424, %swap3A_425] {strides = array<i32>} : memref<128x128xf32, #tpu.memory_space<vmem>>, vector<1x16xf32>,
        %swap3A_427 = vector.shape_cast %swap3A_426 : vector<1x16xf32> to vector<16xf32>
        %swap3A_428 = vector.shape_cast %get3A_423 : vector<16xf32> to vector<1x16xf32>
        tpu.vector_store %arg8[%swap3A_424, %swap3A_425], %swap3A_428 {add = true, strides = array<i32>} : memref<128x128xf32, #tpu.memory_space<vmem>>, vector<1x16xf32>,
        %get3A_429 = arith.index_cast %add3A_410 : i32 to index
        %get3A_430 = arith.constant 32 : index
        %get3A_431 = tpu.vector_load %arg7[%get3A_429, %get3A_430] {strides = array<i32>} : memref<128x128xf32, #tpu.memory_space<vmem>>, vector<1x16xf32>,
        %get3A_432 = vector.shape_cast %get3A_431 : vector<1x16xf32> to vector<16xf32>
        %swap3A_433 = arith.index_cast %add3A_410 : i32 to index
        %swap3A_434 = arith.constant 32 : index
        %swap3A_435 = tpu.vector_load %arg8[%swap3A_433, %swap3A_434] {strides = array<i32>} : memref<128x128xf32, #tpu.memory_space<vmem>>, vector<1x16xf32>,
        %swap3A_436 = vector.shape_cast %swap3A_435 : vector<1x16xf32> to vector<16xf32>
        %swap3A_437 = vector.shape_cast %get3A_432 : vector<16xf32> to vector<1x16xf32>
        tpu.vector_store %arg8[%swap3A_433, %swap3A_434], %swap3A_437 {add = true, strides = array<i32>} : memref<128x128xf32, #tpu.memory_space<vmem>>, vector<1x16xf32>,
        %get3A_438 = arith.index_cast %add3A_410 : i32 to index
        %get3A_439 = arith.constant 48 : index
        %get3A_440 = tpu.vector_load %arg7[%get3A_438, %get3A_439] {strides = array<i32>} : memref<128x128xf32, #tpu.memory_space<vmem>>, vector<1x16xf32>,
        %get3A_441 = vector.shape_cast %get3A_440 : vector<1x16xf32> to vector<16xf32>
        %swap3A_442 = arith.index_cast %add3A_410 : i32 to index
        %swap3A_443 = arith.constant 48 : index
        %swap3A_444 = tpu.vector_load %arg8[%swap3A_442, %swap3A_443] {strides = array<i32>} : memref<128x128xf32, #tpu.memory_space<vmem>>, vector<1x16xf32>,
        %swap3A_445 = vector.shape_cast %swap3A_444 : vector<1x16xf32> to vector<16xf32>
        %swap3A_446 = vector.shape_cast %get3A_441 : vector<16xf32> to vector<1x16xf32>
        tpu.vector_store %arg8[%swap3A_442, %swap3A_443], %swap3A_446 {add = true, strides = array<i32>} : memref<128x128xf32, #tpu.memory_space<vmem>>, vector<1x16xf32>,
        %get3A_447 = arith.index_cast %add3A_410 : i32 to index
        %get3A_448 = arith.constant 64 : index
        %get3A_449 = tpu.vector_load %arg7[%get3A_447, %get3A_448] {strides = array<i32>} : memref<128x128xf32, #tpu.memory_space<vmem>>, vector<1x16xf32>,
        %get3A_450 = vector.shape_cast %get3A_449 : vector<1x16xf32> to vector<16xf32>
        %swap3A_451 = arith.index_cast %add3A_410 : i32 to index
        %swap3A_452 = arith.constant 64 : index
        %swap3A_453 = tpu.vector_load %arg8[%swap3A_451, %swap3A_452] {strides = array<i32>} : memref<128x128xf32, #tpu.memory_space<vmem>>, vector<1x16xf32>,
        %swap3A_454 = vector.shape_cast %swap3A_453 : vector<1x16xf32> to vector<16xf32>
        %swap3A_455 = vector.shape_cast %get3A_450 : vector<16xf32> to vector<1x16xf32>
        tpu.vector_store %arg8[%swap3A_451, %swap3A_452], %swap3A_455 {add = true, strides = array<i32>} : memref<128x128xf32, #tpu.memory_space<vmem>>, vector<1x16xf32>,
        %get3A_456 = arith.index_cast %add3A_410 : i32 to index
        %get3A_457 = arith.constant 80 : index
        %get3A_458 = tpu.vector_load %arg7[%get3A_456, %get3A_457] {strides = array<i32>} : memref<128x128xf32, #tpu.memory_space<vmem>>, vector<1x16xf32>,
        %get3A_459 = vector.shape_cast %get3A_458 : vector<1x16xf32> to vector<16xf32>
        %swap3A_460 = arith.index_cast %add3A_410 : i32 to index
        %swap3A_461 = arith.constant 80 : index
        %swap3A_462 = tpu.vector_load %arg8[%swap3A_460, %swap3A_461] {strides = array<i32>} : memref<128x128xf32, #tpu.memory_space<vmem>>, vector<1x16xf32>,
        %swap3A_463 = vector.shape_cast %swap3A_462 : vector<1x16xf32> to vector<16xf32>
        %swap3A_464 = vector.shape_cast %get3A_459 : vector<16xf32> to vector<1x16xf32>
        tpu.vector_store %arg8[%swap3A_460, %swap3A_461], %swap3A_464 {add = true, strides = array<i32>} : memref<128x128xf32, #tpu.memory_space<vmem>>, vector<1x16xf32>,
        %get3A_465 = arith.index_cast %add3A_410 : i32 to index
        %get3A_466 = arith.constant 96 : index
        %get3A_467 = tpu.vector_load %arg7[%get3A_465, %get3A_466] {strides = array<i32>} : memref<128x128xf32, #tpu.memory_space<vmem>>, vector<1x16xf32>,
        %get3A_468 = vector.shape_cast %get3A_467 : vector<1x16xf32> to vector<16xf32>
        %swap3A_469 = arith.index_cast %add3A_410 : i32 to index
        %swap3A_470 = arith.constant 96 : index
        %swap3A_471 = tpu.vector_load %arg8[%swap3A_469, %swap3A_470] {strides = array<i32>} : memref<128x128xf32, #tpu.memory_space<vmem>>, vector<1x16xf32>,
        %swap3A_472 = vector.shape_cast %swap3A_471 : vector<1x16xf32> to vector<16xf32>
        %swap3A_473 = vector.shape_cast %get3A_468 : vector<16xf32> to vector<1x16xf32>
        tpu.vector_store %arg8[%swap3A_469, %swap3A_470], %swap3A_473 {add = true, strides = array<i32>} : memref<128x128xf32, #tpu.memory_space<vmem>>, vector<1x16xf32>,
        %get3A_474 = arith.index_cast %add3A_410 : i32 to index
        %get3A_475 = arith.constant 112 : index
        %get3A_476 = tpu.vector_load %arg7[%get3A_474, %get3A_475] {strides = array<i32>} : memref<128x128xf32, #tpu.memory_space<vmem>>, vector<1x16xf32>,
        %get3A_477 = vector.shape_cast %get3A_476 : vector<1x16xf32> to vector<16xf32>
        %swap3A_478 = arith.index_cast %add3A_410 : i32 to index
        %swap3A_479 = arith.constant 112 : index
        %swap3A_480 = tpu.vector_load %arg8[%swap3A_478, %swap3A_479] {strides = array<i32>} : memref<128x128xf32, #tpu.memory_space<vmem>>, vector<1x16xf32>,
        %swap3A_481 = vector.shape_cast %swap3A_480 : vector<1x16xf32> to vector<16xf32>
        %swap3A_482 = vector.shape_cast %get3A_477 : vector<16xf32> to vector<1x16xf32>
        tpu.vector_store %arg8[%swap3A_478, %swap3A_479], %swap3A_482 {add = true, strides = array<i32>} : memref<128x128xf32, #tpu.memory_space<vmem>>, vector<1x16xf32>,
      }
      %scan3A_81 = arith.constant 32 : i32
      %add3A_82 = arith.addi %mul3A_0, %add3A_59 : i32
      %dma_start3A_83 = arith.constant 0 : i32
      %dma_start3A_84 = tpu.memref_slice %arg5[%add3A_82, %mul3A_2, %dma_start3A_83] : memref<32x2048x128xf32, #tpu.memory_space<hbm>> -> memref<1x128x128xf32, #tpu.memory_space<hbm>>
      %dma_start3A_85 = tpu.memref_squeeze %dma_start3A_84 : memref<1x128x128xf32, #tpu.memory_space<hbm>> -> memref<128x128xf32, #tpu.memory_space<hbm>>
      %dma_start3A_86 = arith.constant 0 : i32
      %dma_start3A_87 = tpu.memref_slice %arg5[%add3A_82, %mul3A_2, %dma_start3A_86] : memref<32x2048x128xf32, #tpu.memory_space<hbm>> -> memref<1x128x128xf32, #tpu.memory_space<hbm>>
      %dma_start3A_88 = tpu.memref_squeeze %dma_start3A_87 : memref<1x128x128xf32, #tpu.memory_space<hbm>> -> memref<128x128xf32, #tpu.memory_space<hbm>>
      tpu.enqueue_dma source(%arg8 : memref<128x128xf32, #tpu.memory_space<vmem>>) target(%dma_start3A_88 : memref<128x128xf32, #tpu.memory_space<hbm>>) target_semaphore(%arg16 : memref<!tpu.dma_semaphore, #tpu.memory_space<semaphore_mem>>)
      %mul3A_89 = arith.constant 4 : i32
      %mul3A_90 = arith.muli %scan3A_56, %mul3A_89 : i32
      %add3A_91 = arith.constant 1 : i32
      %add3A_92 = arith.addi %mul3A_90, %add3A_91 : i32
      %ge3A_93 = arith.constant 1 : i32
      %ge3A_94 = arith.cmpi sge, %scan3A_56, %ge3A_93 : i32
      %convert_element_type3A_95 = arith.extui %ge3A_94 : i1 to i32
      %cond3A_96 = arith.constant 0 : i32
      %cond3A_97 = arith.cmpi ne, %convert_element_type3A_95, %cond3A_96 : i32
      scf.if %cond3A_97 {
        %dma_wait3A_180 = arith.constant 0 : i32
        %dma_wait3A_181 = arith.constant 0 : i32
        %dma_wait3A_182 = arith.constant 0 : i32
        %dma_wait3A_183 = tpu.memref_slice %arg5[%dma_wait3A_180, %dma_wait3A_181, %dma_wait3A_182] : memref<32x2048x128xf32, #tpu.memory_space<hbm>> -> memref<1x128x128xf32, #tpu.memory_space<hbm>>
        %dma_wait3A_184 = tpu.memref_squeeze %dma_wait3A_183 : memref<1x128x128xf32, #tpu.memory_space<hbm>> -> memref<128x128xf32, #tpu.memory_space<hbm>>
        %dma_wait3A_185 = arith.constant 0 : i32
        %dma_wait3A_186 = arith.constant 0 : i32
        %dma_wait3A_187 = tpu.memref_slice %arg5[%dma_wait3A_180, %dma_wait3A_185, %dma_wait3A_186] : memref<32x2048x128xf32, #tpu.memory_space<hbm>> -> memref<1x128x128xf32, #tpu.memory_space<hbm>>
        %dma_wait3A_188 = tpu.memref_squeeze %dma_wait3A_187 : memref<1x128x128xf32, #tpu.memory_space<hbm>> -> memref<128x128xf32, #tpu.memory_space<hbm>>
        tpu.wait_dma2 semaphore(%arg19 : memref<!tpu.dma_semaphore, #tpu.memory_space<semaphore_mem>>) src(%arg11 : memref<128x128xf32, #tpu.memory_space<vmem>>) dst(%dma_wait3A_188 : memref<128x128xf32, #tpu.memory_space<hbm>>)
      } else {
      }
      %add3A_98 = arith.constant 2 : i32
      %add3A_99 = arith.addi %add3A_92, %add3A_98 : i32
      %dma_start3A_100 = arith.constant 0 : i32
      %dma_start3A_101 = tpu.memref_slice %arg6[%add3A_99, %dma_start3A_100] : memref<16x128xi32, #tpu.memory_space<vmem>> -> memref<1x128xi32, #tpu.memory_space<vmem>>
      %dma_start3A_102 = tpu.memref_squeeze %dma_start3A_101 : memref<1x128xi32, #tpu.memory_space<vmem>> -> memref<128xi32, #tpu.memory_space<vmem>>
      %dma_start3A_103 = arith.constant 0 : i32
      %dma_start3A_104 = arith.constant 0 : i32
      %dma_start3A_105 = tpu.memref_slice %arg3[%dma_start3A_103, %dma_start3A_104] : memref<100000x128xf32, #tpu.memory_space<hbm>> -> memref<100000x128xf32, #tpu.memory_space<hbm>>
      tpu.enqueue_indirect_dma source(%dma_start3A_105 : memref<100000x128xf32, #tpu.memory_space<hbm>>) target(%arg11 : memref<128x128xf32, #tpu.memory_space<vmem>>) offsets(%dma_start3A_102 : memref<128xi32, #tpu.memory_space<vmem>>) semaphore(%arg15 : memref<!tpu.dma_semaphore, #tpu.memory_space<semaphore_mem>>)
      %dma_wait3A_106 = arith.constant 0 : i32
      %dma_wait3A_107 = tpu.memref_slice %arg6[%add3A_92, %dma_wait3A_106] : memref<16x128xi32, #tpu.memory_space<vmem>> -> memref<1x128xi32, #tpu.memory_space<vmem>>
      %dma_wait3A_108 = tpu.memref_squeeze %dma_wait3A_107 : memref<1x128xi32, #tpu.memory_space<vmem>> -> memref<128xi32, #tpu.memory_space<vmem>>
      %dma_wait3A_109 = arith.constant 0 : i32
      %dma_wait3A_110 = arith.constant 0 : i32
      %dma_wait3A_111 = tpu.memref_slice %arg3[%dma_wait3A_109, %dma_wait3A_110] : memref<100000x128xf32, #tpu.memory_space<hbm>> -> memref<100000x128xf32, #tpu.memory_space<hbm>>
      tpu.wait_indirect_dma semaphore(%arg13 : memref<!tpu.dma_semaphore, #tpu.memory_space<semaphore_mem>>) src(%dma_wait3A_111 : memref<100000x128xf32, #tpu.memory_space<hbm>>) dst(%arg9 : memref<128x128xf32, #tpu.memory_space<vmem>>)
      %scan3A_112 = arith.constant 0 : i32
      %scan3A_113 = arith.constant 0 : i32
      %scan3A_114 = arith.constant 32 : i32
      %scan3A_115 = arith.addi %scan3A_113, %scan3A_114 : i32
      %scan3A_116 = arith.constant 1 : i32
      scf.for %scan3A_180 = %scan3A_113 to %scan3A_115 step %scan3A_116  : i32 {
        %mul3A_181 = arith.constant 4 : i32
        %mul3A_182 = arith.muli %scan3A_180, %mul3A_181 : i32
        %add3A_183 = arith.constant 0 : i32
        %add3A_184 = arith.addi %mul3A_182, %add3A_183 : i32
        %get3A = arith.index_cast %add3A_184 : i32 to index
        %get3A_185 = arith.constant 0 : index
        %get3A_186 = tpu.vector_load %arg7[%get3A, %get3A_185] {strides = array<i32>} : memref<128x128xf32, #tpu.memory_space<vmem>>, vector<1x16xf32>,
        %get3A_187 = vector.shape_cast %get3A_186 : vector<1x16xf32> to vector<16xf32>
        %swap3A = arith.index_cast %add3A_184 : i32 to index
        %swap3A_188 = arith.constant 0 : index
        %swap3A_189 = tpu.vector_load %arg9[%swap3A, %swap3A_188] {strides = array<i32>} : memref<128x128xf32, #tpu.memory_space<vmem>>, vector<1x16xf32>,
        %swap3A_190 = vector.shape_cast %swap3A_189 : vector<1x16xf32> to vector<16xf32>
        %swap3A_191 = vector.shape_cast %get3A_187 : vector<16xf32> to vector<1x16xf32>
        tpu.vector_store %arg9[%swap3A, %swap3A_188], %swap3A_191 {add = true, strides = array<i32>} : memref<128x128xf32, #tpu.memory_space<vmem>>, vector<1x16xf32>,
        %get3A_192 = arith.index_cast %add3A_184 : i32 to index
        %get3A_193 = arith.constant 16 : index
        %get3A_194 = tpu.vector_load %arg7[%get3A_192, %get3A_193] {strides = array<i32>} : memref<128x128xf32, #tpu.memory_space<vmem>>, vector<1x16xf32>,
        %get3A_195 = vector.shape_cast %get3A_194 : vector<1x16xf32> to vector<16xf32>
        %swap3A_196 = arith.index_cast %add3A_184 : i32 to index
        %swap3A_197 = arith.constant 16 : index
        %swap3A_198 = tpu.vector_load %arg9[%swap3A_196, %swap3A_197] {strides = array<i32>} : memref<128x128xf32, #tpu.memory_space<vmem>>, vector<1x16xf32>,
        %swap3A_199 = vector.shape_cast %swap3A_198 : vector<1x16xf32> to vector<16xf32>
        %swap3A_200 = vector.shape_cast %get3A_195 : vector<16xf32> to vector<1x16xf32>
        tpu.vector_store %arg9[%swap3A_196, %swap3A_197], %swap3A_200 {add = true, strides = array<i32>} : memref<128x128xf32, #tpu.memory_space<vmem>>, vector<1x16xf32>,
        %get3A_201 = arith.index_cast %add3A_184 : i32 to index
        %get3A_202 = arith.constant 32 : index
        %get3A_203 = tpu.vector_load %arg7[%get3A_201, %get3A_202] {strides = array<i32>} : memref<128x128xf32, #tpu.memory_space<vmem>>, vector<1x16xf32>,
        %get3A_204 = vector.shape_cast %get3A_203 : vector<1x16xf32> to vector<16xf32>
        %swap3A_205 = arith.index_cast %add3A_184 : i32 to index
        %swap3A_206 = arith.constant 32 : index
        %swap3A_207 = tpu.vector_load %arg9[%swap3A_205, %swap3A_206] {strides = array<i32>} : memref<128x128xf32, #tpu.memory_space<vmem>>, vector<1x16xf32>,
        %swap3A_208 = vector.shape_cast %swap3A_207 : vector<1x16xf32> to vector<16xf32>
        %swap3A_209 = vector.shape_cast %get3A_204 : vector<16xf32> to vector<1x16xf32>
        tpu.vector_store %arg9[%swap3A_205, %swap3A_206], %swap3A_209 {add = true, strides = array<i32>} : memref<128x128xf32, #tpu.memory_space<vmem>>, vector<1x16xf32>,
        %get3A_210 = arith.index_cast %add3A_184 : i32 to index
        %get3A_211 = arith.constant 48 : index
        %get3A_212 = tpu.vector_load %arg7[%get3A_210, %get3A_211] {strides = array<i32>} : memref<128x128xf32, #tpu.memory_space<vmem>>, vector<1x16xf32>,
        %get3A_213 = vector.shape_cast %get3A_212 : vector<1x16xf32> to vector<16xf32>
        %swap3A_214 = arith.index_cast %add3A_184 : i32 to index
        %swap3A_215 = arith.constant 48 : index
        %swap3A_216 = tpu.vector_load %arg9[%swap3A_214, %swap3A_215] {strides = array<i32>} : memref<128x128xf32, #tpu.memory_space<vmem>>, vector<1x16xf32>,
        %swap3A_217 = vector.shape_cast %swap3A_216 : vector<1x16xf32> to vector<16xf32>
        %swap3A_218 = vector.shape_cast %get3A_213 : vector<16xf32> to vector<1x16xf32>
        tpu.vector_store %arg9[%swap3A_214, %swap3A_215], %swap3A_218 {add = true, strides = array<i32>} : memref<128x128xf32, #tpu.memory_space<vmem>>, vector<1x16xf32>,
        %get3A_219 = arith.index_cast %add3A_184 : i32 to index
        %get3A_220 = arith.constant 64 : index
        %get3A_221 = tpu.vector_load %arg7[%get3A_219, %get3A_220] {strides = array<i32>} : memref<128x128xf32, #tpu.memory_space<vmem>>, vector<1x16xf32>,
        %get3A_222 = vector.shape_cast %get3A_221 : vector<1x16xf32> to vector<16xf32>
        %swap3A_223 = arith.index_cast %add3A_184 : i32 to index
        %swap3A_224 = arith.constant 64 : index
        %swap3A_225 = tpu.vector_load %arg9[%swap3A_223, %swap3A_224] {strides = array<i32>} : memref<128x128xf32, #tpu.memory_space<vmem>>, vector<1x16xf32>,
        %swap3A_226 = vector.shape_cast %swap3A_225 : vector<1x16xf32> to vector<16xf32>
        %swap3A_227 = vector.shape_cast %get3A_222 : vector<16xf32> to vector<1x16xf32>
        tpu.vector_store %arg9[%swap3A_223, %swap3A_224], %swap3A_227 {add = true, strides = array<i32>} : memref<128x128xf32, #tpu.memory_space<vmem>>, vector<1x16xf32>,
        %get3A_228 = arith.index_cast %add3A_184 : i32 to index
        %get3A_229 = arith.constant 80 : index
        %get3A_230 = tpu.vector_load %arg7[%get3A_228, %get3A_229] {strides = array<i32>} : memref<128x128xf32, #tpu.memory_space<vmem>>, vector<1x16xf32>,
        %get3A_231 = vector.shape_cast %get3A_230 : vector<1x16xf32> to vector<16xf32>
        %swap3A_232 = arith.index_cast %add3A_184 : i32 to index
        %swap3A_233 = arith.constant 80 : index
        %swap3A_234 = tpu.vector_load %arg9[%swap3A_232, %swap3A_233] {strides = array<i32>} : memref<128x128xf32, #tpu.memory_space<vmem>>, vector<1x16xf32>,
        %swap3A_235 = vector.shape_cast %swap3A_234 : vector<1x16xf32> to vector<16xf32>
        %swap3A_236 = vector.shape_cast %get3A_231 : vector<16xf32> to vector<1x16xf32>
        tpu.vector_store %arg9[%swap3A_232, %swap3A_233], %swap3A_236 {add = true, strides = array<i32>} : memref<128x128xf32, #tpu.memory_space<vmem>>, vector<1x16xf32>,
        %get3A_237 = arith.index_cast %add3A_184 : i32 to index
        %get3A_238 = arith.constant 96 : index
        %get3A_239 = tpu.vector_load %arg7[%get3A_237, %get3A_238] {strides = array<i32>} : memref<128x128xf32, #tpu.memory_space<vmem>>, vector<1x16xf32>,
        %get3A_240 = vector.shape_cast %get3A_239 : vector<1x16xf32> to vector<16xf32>
        %swap3A_241 = arith.index_cast %add3A_184 : i32 to index
        %swap3A_242 = arith.constant 96 : index
        %swap3A_243 = tpu.vector_load %arg9[%swap3A_241, %swap3A_242] {strides = array<i32>} : memref<128x128xf32, #tpu.memory_space<vmem>>, vector<1x16xf32>,
        %swap3A_244 = vector.shape_cast %swap3A_243 : vector<1x16xf32> to vector<16xf32>
        %swap3A_245 = vector.shape_cast %get3A_240 : vector<16xf32> to vector<1x16xf32>
        tpu.vector_store %arg9[%swap3A_241, %swap3A_242], %swap3A_245 {add = true, strides = array<i32>} : memref<128x128xf32, #tpu.memory_space<vmem>>, vector<1x16xf32>,
        %get3A_246 = arith.index_cast %add3A_184 : i32 to index
        %get3A_247 = arith.constant 112 : index
        %get3A_248 = tpu.vector_load %arg7[%get3A_246, %get3A_247] {strides = array<i32>} : memref<128x128xf32, #tpu.memory_space<vmem>>, vector<1x16xf32>,
        %get3A_249 = vector.shape_cast %get3A_248 : vector<1x16xf32> to vector<16xf32>
        %swap3A_250 = arith.index_cast %add3A_184 : i32 to index
        %swap3A_251 = arith.constant 112 : index
        %swap3A_252 = tpu.vector_load %arg9[%swap3A_250, %swap3A_251] {strides = array<i32>} : memref<128x128xf32, #tpu.memory_space<vmem>>, vector<1x16xf32>,
        %swap3A_253 = vector.shape_cast %swap3A_252 : vector<1x16xf32> to vector<16xf32>
        %swap3A_254 = vector.shape_cast %get3A_249 : vector<16xf32> to vector<1x16xf32>
        tpu.vector_store %arg9[%swap3A_250, %swap3A_251], %swap3A_254 {add = true, strides = array<i32>} : memref<128x128xf32, #tpu.memory_space<vmem>>, vector<1x16xf32>,
        %mul3A_255 = arith.constant 4 : i32
        %mul3A_256 = arith.muli %scan3A_180, %mul3A_255 : i32
        %add3A_257 = arith.constant 1 : i32
        %add3A_258 = arith.addi %mul3A_256, %add3A_257 : i32
        %get3A_259 = arith.index_cast %add3A_258 : i32 to index
        %get3A_260 = arith.constant 0 : index
        %get3A_261 = tpu.vector_load %arg7[%get3A_259, %get3A_260] {strides = array<i32>} : memref<128x128xf32, #tpu.memory_space<vmem>>, vector<1x16xf32>,
        %get3A_262 = vector.shape_cast %get3A_261 : vector<1x16xf32> to vector<16xf32>
        %swap3A_263 = arith.index_cast %add3A_258 : i32 to index
        %swap3A_264 = arith.constant 0 : index
        %swap3A_265 = tpu.vector_load %arg9[%swap3A_263, %swap3A_264] {strides = array<i32>} : memref<128x128xf32, #tpu.memory_space<vmem>>, vector<1x16xf32>,
        %swap3A_266 = vector.shape_cast %swap3A_265 : vector<1x16xf32> to vector<16xf32>
        %swap3A_267 = vector.shape_cast %get3A_262 : vector<16xf32> to vector<1x16xf32>
        tpu.vector_store %arg9[%swap3A_263, %swap3A_264], %swap3A_267 {add = true, strides = array<i32>} : memref<128x128xf32, #tpu.memory_space<vmem>>, vector<1x16xf32>,
        %get3A_268 = arith.index_cast %add3A_258 : i32 to index
        %get3A_269 = arith.constant 16 : index
        %get3A_270 = tpu.vector_load %arg7[%get3A_268, %get3A_269] {strides = array<i32>} : memref<128x128xf32, #tpu.memory_space<vmem>>, vector<1x16xf32>,
        %get3A_271 = vector.shape_cast %get3A_270 : vector<1x16xf32> to vector<16xf32>
        %swap3A_272 = arith.index_cast %add3A_258 : i32 to index
        %swap3A_273 = arith.constant 16 : index
        %swap3A_274 = tpu.vector_load %arg9[%swap3A_272, %swap3A_273] {strides = array<i32>} : memref<128x128xf32, #tpu.memory_space<vmem>>, vector<1x16xf32>,
        %swap3A_275 = vector.shape_cast %swap3A_274 : vector<1x16xf32> to vector<16xf32>
        %swap3A_276 = vector.shape_cast %get3A_271 : vector<16xf32> to vector<1x16xf32>
        tpu.vector_store %arg9[%swap3A_272, %swap3A_273], %swap3A_276 {add = true, strides = array<i32>} : memref<128x128xf32, #tpu.memory_space<vmem>>, vector<1x16xf32>,
        %get3A_277 = arith.index_cast %add3A_258 : i32 to index
        %get3A_278 = arith.constant 32 : index
        %get3A_279 = tpu.vector_load %arg7[%get3A_277, %get3A_278] {strides = array<i32>} : memref<128x128xf32, #tpu.memory_space<vmem>>, vector<1x16xf32>,
        %get3A_280 = vector.shape_cast %get3A_279 : vector<1x16xf32> to vector<16xf32>
        %swap3A_281 = arith.index_cast %add3A_258 : i32 to index
        %swap3A_282 = arith.constant 32 : index
        %swap3A_283 = tpu.vector_load %arg9[%swap3A_281, %swap3A_282] {strides = array<i32>} : memref<128x128xf32, #tpu.memory_space<vmem>>, vector<1x16xf32>,
        %swap3A_284 = vector.shape_cast %swap3A_283 : vector<1x16xf32> to vector<16xf32>
        %swap3A_285 = vector.shape_cast %get3A_280 : vector<16xf32> to vector<1x16xf32>
        tpu.vector_store %arg9[%swap3A_281, %swap3A_282], %swap3A_285 {add = true, strides = array<i32>} : memref<128x128xf32, #tpu.memory_space<vmem>>, vector<1x16xf32>,
        %get3A_286 = arith.index_cast %add3A_258 : i32 to index
        %get3A_287 = arith.constant 48 : index
        %get3A_288 = tpu.vector_load %arg7[%get3A_286, %get3A_287] {strides = array<i32>} : memref<128x128xf32, #tpu.memory_space<vmem>>, vector<1x16xf32>,
        %get3A_289 = vector.shape_cast %get3A_288 : vector<1x16xf32> to vector<16xf32>
        %swap3A_290 = arith.index_cast %add3A_258 : i32 to index
        %swap3A_291 = arith.constant 48 : index
        %swap3A_292 = tpu.vector_load %arg9[%swap3A_290, %swap3A_291] {strides = array<i32>} : memref<128x128xf32, #tpu.memory_space<vmem>>, vector<1x16xf32>,
        %swap3A_293 = vector.shape_cast %swap3A_292 : vector<1x16xf32> to vector<16xf32>
        %swap3A_294 = vector.shape_cast %get3A_289 : vector<16xf32> to vector<1x16xf32>
        tpu.vector_store %arg9[%swap3A_290, %swap3A_291], %swap3A_294 {add = true, strides = array<i32>} : memref<128x128xf32, #tpu.memory_space<vmem>>, vector<1x16xf32>,
        %get3A_295 = arith.index_cast %add3A_258 : i32 to index
        %get3A_296 = arith.constant 64 : index
        %get3A_297 = tpu.vector_load %arg7[%get3A_295, %get3A_296] {strides = array<i32>} : memref<128x128xf32, #tpu.memory_space<vmem>>, vector<1x16xf32>,
        %get3A_298 = vector.shape_cast %get3A_297 : vector<1x16xf32> to vector<16xf32>
        %swap3A_299 = arith.index_cast %add3A_258 : i32 to index
        %swap3A_300 = arith.constant 64 : index
        %swap3A_301 = tpu.vector_load %arg9[%swap3A_299, %swap3A_300] {strides = array<i32>} : memref<128x128xf32, #tpu.memory_space<vmem>>, vector<1x16xf32>,
        %swap3A_302 = vector.shape_cast %swap3A_301 : vector<1x16xf32> to vector<16xf32>
        %swap3A_303 = vector.shape_cast %get3A_298 : vector<16xf32> to vector<1x16xf32>
        tpu.vector_store %arg9[%swap3A_299, %swap3A_300], %swap3A_303 {add = true, strides = array<i32>} : memref<128x128xf32, #tpu.memory_space<vmem>>, vector<1x16xf32>,
        %get3A_304 = arith.index_cast %add3A_258 : i32 to index
        %get3A_305 = arith.constant 80 : index
        %get3A_306 = tpu.vector_load %arg7[%get3A_304, %get3A_305] {strides = array<i32>} : memref<128x128xf32, #tpu.memory_space<vmem>>, vector<1x16xf32>,
        %get3A_307 = vector.shape_cast %get3A_306 : vector<1x16xf32> to vector<16xf32>
        %swap3A_308 = arith.index_cast %add3A_258 : i32 to index
        %swap3A_309 = arith.constant 80 : index
        %swap3A_310 = tpu.vector_load %arg9[%swap3A_308, %swap3A_309] {strides = array<i32>} : memref<128x128xf32, #tpu.memory_space<vmem>>, vector<1x16xf32>,
        %swap3A_311 = vector.shape_cast %swap3A_310 : vector<1x16xf32> to vector<16xf32>
        %swap3A_312 = vector.shape_cast %get3A_307 : vector<16xf32> to vector<1x16xf32>
        tpu.vector_store %arg9[%swap3A_308, %swap3A_309], %swap3A_312 {add = true, strides = array<i32>} : memref<128x128xf32, #tpu.memory_space<vmem>>, vector<1x16xf32>,
        %get3A_313 = arith.index_cast %add3A_258 : i32 to index
        %get3A_314 = arith.constant 96 : index
        %get3A_315 = tpu.vector_load %arg7[%get3A_313, %get3A_314] {strides = array<i32>} : memref<128x128xf32, #tpu.memory_space<vmem>>, vector<1x16xf32>,
        %get3A_316 = vector.shape_cast %get3A_315 : vector<1x16xf32> to vector<16xf32>
        %swap3A_317 = arith.index_cast %add3A_258 : i32 to index
        %swap3A_318 = arith.constant 96 : index
        %swap3A_319 = tpu.vector_load %arg9[%swap3A_317, %swap3A_318] {strides = array<i32>} : memref<128x128xf32, #tpu.memory_space<vmem>>, vector<1x16xf32>,
        %swap3A_320 = vector.shape_cast %swap3A_319 : vector<1x16xf32> to vector<16xf32>
        %swap3A_321 = vector.shape_cast %get3A_316 : vector<16xf32> to vector<1x16xf32>
        tpu.vector_store %arg9[%swap3A_317, %swap3A_318], %swap3A_321 {add = true, strides = array<i32>} : memref<128x128xf32, #tpu.memory_space<vmem>>, vector<1x16xf32>,
        %get3A_322 = arith.index_cast %add3A_258 : i32 to index
        %get3A_323 = arith.constant 112 : index
        %get3A_324 = tpu.vector_load %arg7[%get3A_322, %get3A_323] {strides = array<i32>} : memref<128x128xf32, #tpu.memory_space<vmem>>, vector<1x16xf32>,
        %get3A_325 = vector.shape_cast %get3A_324 : vector<1x16xf32> to vector<16xf32>
        %swap3A_326 = arith.index_cast %add3A_258 : i32 to index
        %swap3A_327 = arith.constant 112 : index
        %swap3A_328 = tpu.vector_load %arg9[%swap3A_326, %swap3A_327] {strides = array<i32>} : memref<128x128xf32, #tpu.memory_space<vmem>>, vector<1x16xf32>,
        %swap3A_329 = vector.shape_cast %swap3A_328 : vector<1x16xf32> to vector<16xf32>
        %swap3A_330 = vector.shape_cast %get3A_325 : vector<16xf32> to vector<1x16xf32>
        tpu.vector_store %arg9[%swap3A_326, %swap3A_327], %swap3A_330 {add = true, strides = array<i32>} : memref<128x128xf32, #tpu.memory_space<vmem>>, vector<1x16xf32>,
        %mul3A_331 = arith.constant 4 : i32
        %mul3A_332 = arith.muli %scan3A_180, %mul3A_331 : i32
        %add3A_333 = arith.constant 2 : i32
        %add3A_334 = arith.addi %mul3A_332, %add3A_333 : i32
        %get3A_335 = arith.index_cast %add3A_334 : i32 to index
        %get3A_336 = arith.constant 0 : index
        %get3A_337 = tpu.vector_load %arg7[%get3A_335, %get3A_336] {strides = array<i32>} : memref<128x128xf32, #tpu.memory_space<vmem>>, vector<1x16xf32>,
        %get3A_338 = vector.shape_cast %get3A_337 : vector<1x16xf32> to vector<16xf32>
        %swap3A_339 = arith.index_cast %add3A_334 : i32 to index
        %swap3A_340 = arith.constant 0 : index
        %swap3A_341 = tpu.vector_load %arg9[%swap3A_339, %swap3A_340] {strides = array<i32>} : memref<128x128xf32, #tpu.memory_space<vmem>>, vector<1x16xf32>,
        %swap3A_342 = vector.shape_cast %swap3A_341 : vector<1x16xf32> to vector<16xf32>
        %swap3A_343 = vector.shape_cast %get3A_338 : vector<16xf32> to vector<1x16xf32>
        tpu.vector_store %arg9[%swap3A_339, %swap3A_340], %swap3A_343 {add = true, strides = array<i32>} : memref<128x128xf32, #tpu.memory_space<vmem>>, vector<1x16xf32>,
        %get3A_344 = arith.index_cast %add3A_334 : i32 to index
        %get3A_345 = arith.constant 16 : index
        %get3A_346 = tpu.vector_load %arg7[%get3A_344, %get3A_345] {strides = array<i32>} : memref<128x128xf32, #tpu.memory_space<vmem>>, vector<1x16xf32>,
        %get3A_347 = vector.shape_cast %get3A_346 : vector<1x16xf32> to vector<16xf32>
        %swap3A_348 = arith.index_cast %add3A_334 : i32 to index
        %swap3A_349 = arith.constant 16 : index
        %swap3A_350 = tpu.vector_load %arg9[%swap3A_348, %swap3A_349] {strides = array<i32>} : memref<128x128xf32, #tpu.memory_space<vmem>>, vector<1x16xf32>,
        %swap3A_351 = vector.shape_cast %swap3A_350 : vector<1x16xf32> to vector<16xf32>
        %swap3A_352 = vector.shape_cast %get3A_347 : vector<16xf32> to vector<1x16xf32>
        tpu.vector_store %arg9[%swap3A_348, %swap3A_349], %swap3A_352 {add = true, strides = array<i32>} : memref<128x128xf32, #tpu.memory_space<vmem>>, vector<1x16xf32>,
        %get3A_353 = arith.index_cast %add3A_334 : i32 to index
        %get3A_354 = arith.constant 32 : index
        %get3A_355 = tpu.vector_load %arg7[%get3A_353, %get3A_354] {strides = array<i32>} : memref<128x128xf32, #tpu.memory_space<vmem>>, vector<1x16xf32>,
        %get3A_356 = vector.shape_cast %get3A_355 : vector<1x16xf32> to vector<16xf32>
        %swap3A_357 = arith.index_cast %add3A_334 : i32 to index
        %swap3A_358 = arith.constant 32 : index
        %swap3A_359 = tpu.vector_load %arg9[%swap3A_357, %swap3A_358] {strides = array<i32>} : memref<128x128xf32, #tpu.memory_space<vmem>>, vector<1x16xf32>,
        %swap3A_360 = vector.shape_cast %swap3A_359 : vector<1x16xf32> to vector<16xf32>
        %swap3A_361 = vector.shape_cast %get3A_356 : vector<16xf32> to vector<1x16xf32>
        tpu.vector_store %arg9[%swap3A_357, %swap3A_358], %swap3A_361 {add = true, strides = array<i32>} : memref<128x128xf32, #tpu.memory_space<vmem>>, vector<1x16xf32>,
        %get3A_362 = arith.index_cast %add3A_334 : i32 to index
        %get3A_363 = arith.constant 48 : index
        %get3A_364 = tpu.vector_load %arg7[%get3A_362, %get3A_363] {strides = array<i32>} : memref<128x128xf32, #tpu.memory_space<vmem>>, vector<1x16xf32>,
        %get3A_365 = vector.shape_cast %get3A_364 : vector<1x16xf32> to vector<16xf32>
        %swap3A_366 = arith.index_cast %add3A_334 : i32 to index
        %swap3A_367 = arith.constant 48 : index
        %swap3A_368 = tpu.vector_load %arg9[%swap3A_366, %swap3A_367] {strides = array<i32>} : memref<128x128xf32, #tpu.memory_space<vmem>>, vector<1x16xf32>,
        %swap3A_369 = vector.shape_cast %swap3A_368 : vector<1x16xf32> to vector<16xf32>
        %swap3A_370 = vector.shape_cast %get3A_365 : vector<16xf32> to vector<1x16xf32>
        tpu.vector_store %arg9[%swap3A_366, %swap3A_367], %swap3A_370 {add = true, strides = array<i32>} : memref<128x128xf32, #tpu.memory_space<vmem>>, vector<1x16xf32>,
        %get3A_371 = arith.index_cast %add3A_334 : i32 to index
        %get3A_372 = arith.constant 64 : index
        %get3A_373 = tpu.vector_load %arg7[%get3A_371, %get3A_372] {strides = array<i32>} : memref<128x128xf32, #tpu.memory_space<vmem>>, vector<1x16xf32>,
        %get3A_374 = vector.shape_cast %get3A_373 : vector<1x16xf32> to vector<16xf32>
        %swap3A_375 = arith.index_cast %add3A_334 : i32 to index
        %swap3A_376 = arith.constant 64 : index
        %swap3A_377 = tpu.vector_load %arg9[%swap3A_375, %swap3A_376] {strides = array<i32>} : memref<128x128xf32, #tpu.memory_space<vmem>>, vector<1x16xf32>,
        %swap3A_378 = vector.shape_cast %swap3A_377 : vector<1x16xf32> to vector<16xf32>
        %swap3A_379 = vector.shape_cast %get3A_374 : vector<16xf32> to vector<1x16xf32>
        tpu.vector_store %arg9[%swap3A_375, %swap3A_376], %swap3A_379 {add = true, strides = array<i32>} : memref<128x128xf32, #tpu.memory_space<vmem>>, vector<1x16xf32>,
        %get3A_380 = arith.index_cast %add3A_334 : i32 to index
        %get3A_381 = arith.constant 80 : index
        %get3A_382 = tpu.vector_load %arg7[%get3A_380, %get3A_381] {strides = array<i32>} : memref<128x128xf32, #tpu.memory_space<vmem>>, vector<1x16xf32>,
        %get3A_383 = vector.shape_cast %get3A_382 : vector<1x16xf32> to vector<16xf32>
        %swap3A_384 = arith.index_cast %add3A_334 : i32 to index
        %swap3A_385 = arith.constant 80 : index
        %swap3A_386 = tpu.vector_load %arg9[%swap3A_384, %swap3A_385] {strides = array<i32>} : memref<128x128xf32, #tpu.memory_space<vmem>>, vector<1x16xf32>,
        %swap3A_387 = vector.shape_cast %swap3A_386 : vector<1x16xf32> to vector<16xf32>
        %swap3A_388 = vector.shape_cast %get3A_383 : vector<16xf32> to vector<1x16xf32>
        tpu.vector_store %arg9[%swap3A_384, %swap3A_385], %swap3A_388 {add = true, strides = array<i32>} : memref<128x128xf32, #tpu.memory_space<vmem>>, vector<1x16xf32>,
        %get3A_389 = arith.index_cast %add3A_334 : i32 to index
        %get3A_390 = arith.constant 96 : index
        %get3A_391 = tpu.vector_load %arg7[%get3A_389, %get3A_390] {strides = array<i32>} : memref<128x128xf32, #tpu.memory_space<vmem>>, vector<1x16xf32>,
        %get3A_392 = vector.shape_cast %get3A_391 : vector<1x16xf32> to vector<16xf32>
        %swap3A_393 = arith.index_cast %add3A_334 : i32 to index
        %swap3A_394 = arith.constant 96 : index
        %swap3A_395 = tpu.vector_load %arg9[%swap3A_393, %swap3A_394] {strides = array<i32>} : memref<128x128xf32, #tpu.memory_space<vmem>>, vector<1x16xf32>,
        %swap3A_396 = vector.shape_cast %swap3A_395 : vector<1x16xf32> to vector<16xf32>
        %swap3A_397 = vector.shape_cast %get3A_392 : vector<16xf32> to vector<1x16xf32>
        tpu.vector_store %arg9[%swap3A_393, %swap3A_394], %swap3A_397 {add = true, strides = array<i32>} : memref<128x128xf32, #tpu.memory_space<vmem>>, vector<1x16xf32>,
        %get3A_398 = arith.index_cast %add3A_334 : i32 to index
        %get3A_399 = arith.constant 112 : index
        %get3A_400 = tpu.vector_load %arg7[%get3A_398, %get3A_399] {strides = array<i32>} : memref<128x128xf32, #tpu.memory_space<vmem>>, vector<1x16xf32>,
        %get3A_401 = vector.shape_cast %get3A_400 : vector<1x16xf32> to vector<16xf32>
        %swap3A_402 = arith.index_cast %add3A_334 : i32 to index
        %swap3A_403 = arith.constant 112 : index
        %swap3A_404 = tpu.vector_load %arg9[%swap3A_402, %swap3A_403] {strides = array<i32>} : memref<128x128xf32, #tpu.memory_space<vmem>>, vector<1x16xf32>,
        %swap3A_405 = vector.shape_cast %swap3A_404 : vector<1x16xf32> to vector<16xf32>
        %swap3A_406 = vector.shape_cast %get3A_401 : vector<16xf32> to vector<1x16xf32>
        tpu.vector_store %arg9[%swap3A_402, %swap3A_403], %swap3A_406 {add = true, strides = array<i32>} : memref<128x128xf32, #tpu.memory_space<vmem>>, vector<1x16xf32>,
        %mul3A_407 = arith.constant 4 : i32
        %mul3A_408 = arith.muli %scan3A_180, %mul3A_407 : i32
        %add3A_409 = arith.constant 3 : i32
        %add3A_410 = arith.addi %mul3A_408, %add3A_409 : i32
        %get3A_411 = arith.index_cast %add3A_410 : i32 to index
        %get3A_412 = arith.constant 0 : index
        %get3A_413 = tpu.vector_load %arg7[%get3A_411, %get3A_412] {strides = array<i32>} : memref<128x128xf32, #tpu.memory_space<vmem>>, vector<1x16xf32>,
        %get3A_414 = vector.shape_cast %get3A_413 : vector<1x16xf32> to vector<16xf32>
        %swap3A_415 = arith.index_cast %add3A_410 : i32 to index
        %swap3A_416 = arith.constant 0 : index
        %swap3A_417 = tpu.vector_load %arg9[%swap3A_415, %swap3A_416] {strides = array<i32>} : memref<128x128xf32, #tpu.memory_space<vmem>>, vector<1x16xf32>,
        %swap3A_418 = vector.shape_cast %swap3A_417 : vector<1x16xf32> to vector<16xf32>
        %swap3A_419 = vector.shape_cast %get3A_414 : vector<16xf32> to vector<1x16xf32>
        tpu.vector_store %arg9[%swap3A_415, %swap3A_416], %swap3A_419 {add = true, strides = array<i32>} : memref<128x128xf32, #tpu.memory_space<vmem>>, vector<1x16xf32>,
        %get3A_420 = arith.index_cast %add3A_410 : i32 to index
        %get3A_421 = arith.constant 16 : index
        %get3A_422 = tpu.vector_load %arg7[%get3A_420, %get3A_421] {strides = array<i32>} : memref<128x128xf32, #tpu.memory_space<vmem>>, vector<1x16xf32>,
        %get3A_423 = vector.shape_cast %get3A_422 : vector<1x16xf32> to vector<16xf32>
        %swap3A_424 = arith.index_cast %add3A_410 : i32 to index
        %swap3A_425 = arith.constant 16 : index
        %swap3A_426 = tpu.vector_load %arg9[%swap3A_424, %swap3A_425] {strides = array<i32>} : memref<128x128xf32, #tpu.memory_space<vmem>>, vector<1x16xf32>,
        %swap3A_427 = vector.shape_cast %swap3A_426 : vector<1x16xf32> to vector<16xf32>
        %swap3A_428 = vector.shape_cast %get3A_423 : vector<16xf32> to vector<1x16xf32>
        tpu.vector_store %arg9[%swap3A_424, %swap3A_425], %swap3A_428 {add = true, strides = array<i32>} : memref<128x128xf32, #tpu.memory_space<vmem>>, vector<1x16xf32>,
        %get3A_429 = arith.index_cast %add3A_410 : i32 to index
        %get3A_430 = arith.constant 32 : index
        %get3A_431 = tpu.vector_load %arg7[%get3A_429, %get3A_430] {strides = array<i32>} : memref<128x128xf32, #tpu.memory_space<vmem>>, vector<1x16xf32>,
        %get3A_432 = vector.shape_cast %get3A_431 : vector<1x16xf32> to vector<16xf32>
        %swap3A_433 = arith.index_cast %add3A_410 : i32 to index
        %swap3A_434 = arith.constant 32 : index
        %swap3A_435 = tpu.vector_load %arg9[%swap3A_433, %swap3A_434] {strides = array<i32>} : memref<128x128xf32, #tpu.memory_space<vmem>>, vector<1x16xf32>,
        %swap3A_436 = vector.shape_cast %swap3A_435 : vector<1x16xf32> to vector<16xf32>
        %swap3A_437 = vector.shape_cast %get3A_432 : vector<16xf32> to vector<1x16xf32>
        tpu.vector_store %arg9[%swap3A_433, %swap3A_434], %swap3A_437 {add = true, strides = array<i32>} : memref<128x128xf32, #tpu.memory_space<vmem>>, vector<1x16xf32>,
        %get3A_438 = arith.index_cast %add3A_410 : i32 to index
        %get3A_439 = arith.constant 48 : index
        %get3A_440 = tpu.vector_load %arg7[%get3A_438, %get3A_439] {strides = array<i32>} : memref<128x128xf32, #tpu.memory_space<vmem>>, vector<1x16xf32>,
        %get3A_441 = vector.shape_cast %get3A_440 : vector<1x16xf32> to vector<16xf32>
        %swap3A_442 = arith.index_cast %add3A_410 : i32 to index
        %swap3A_443 = arith.constant 48 : index
        %swap3A_444 = tpu.vector_load %arg9[%swap3A_442, %swap3A_443] {strides = array<i32>} : memref<128x128xf32, #tpu.memory_space<vmem>>, vector<1x16xf32>,
        %swap3A_445 = vector.shape_cast %swap3A_444 : vector<1x16xf32> to vector<16xf32>
        %swap3A_446 = vector.shape_cast %get3A_441 : vector<16xf32> to vector<1x16xf32>
        tpu.vector_store %arg9[%swap3A_442, %swap3A_443], %swap3A_446 {add = true, strides = array<i32>} : memref<128x128xf32, #tpu.memory_space<vmem>>, vector<1x16xf32>,
        %get3A_447 = arith.index_cast %add3A_410 : i32 to index
        %get3A_448 = arith.constant 64 : index
        %get3A_449 = tpu.vector_load %arg7[%get3A_447, %get3A_448] {strides = array<i32>} : memref<128x128xf32, #tpu.memory_space<vmem>>, vector<1x16xf32>,
        %get3A_450 = vector.shape_cast %get3A_449 : vector<1x16xf32> to vector<16xf32>
        %swap3A_451 = arith.index_cast %add3A_410 : i32 to index
        %swap3A_452 = arith.constant 64 : index
        %swap3A_453 = tpu.vector_load %arg9[%swap3A_451, %swap3A_452] {strides = array<i32>} : memref<128x128xf32, #tpu.memory_space<vmem>>, vector<1x16xf32>,
        %swap3A_454 = vector.shape_cast %swap3A_453 : vector<1x16xf32> to vector<16xf32>
        %swap3A_455 = vector.shape_cast %get3A_450 : vector<16xf32> to vector<1x16xf32>
        tpu.vector_store %arg9[%swap3A_451, %swap3A_452], %swap3A_455 {add = true, strides = array<i32>} : memref<128x128xf32, #tpu.memory_space<vmem>>, vector<1x16xf32>,
        %get3A_456 = arith.index_cast %add3A_410 : i32 to index
        %get3A_457 = arith.constant 80 : index
        %get3A_458 = tpu.vector_load %arg7[%get3A_456, %get3A_457] {strides = array<i32>} : memref<128x128xf32, #tpu.memory_space<vmem>>, vector<1x16xf32>,
        %get3A_459 = vector.shape_cast %get3A_458 : vector<1x16xf32> to vector<16xf32>
        %swap3A_460 = arith.index_cast %add3A_410 : i32 to index
        %swap3A_461 = arith.constant 80 : index
        %swap3A_462 = tpu.vector_load %arg9[%swap3A_460, %swap3A_461] {strides = array<i32>} : memref<128x128xf32, #tpu.memory_space<vmem>>, vector<1x16xf32>,
        %swap3A_463 = vector.shape_cast %swap3A_462 : vector<1x16xf32> to vector<16xf32>
        %swap3A_464 = vector.shape_cast %get3A_459 : vector<16xf32> to vector<1x16xf32>
        tpu.vector_store %arg9[%swap3A_460, %swap3A_461], %swap3A_464 {add = true, strides = array<i32>} : memref<128x128xf32, #tpu.memory_space<vmem>>, vector<1x16xf32>,
        %get3A_465 = arith.index_cast %add3A_410 : i32 to index
        %get3A_466 = arith.constant 96 : index
        %get3A_467 = tpu.vector_load %arg7[%get3A_465, %get3A_466] {strides = array<i32>} : memref<128x128xf32, #tpu.memory_space<vmem>>, vector<1x16xf32>,
        %get3A_468 = vector.shape_cast %get3A_467 : vector<1x16xf32> to vector<16xf32>
        %swap3A_469 = arith.index_cast %add3A_410 : i32 to index
        %swap3A_470 = arith.constant 96 : index
        %swap3A_471 = tpu.vector_load %arg9[%swap3A_469, %swap3A_470] {strides = array<i32>} : memref<128x128xf32, #tpu.memory_space<vmem>>, vector<1x16xf32>,
        %swap3A_472 = vector.shape_cast %swap3A_471 : vector<1x16xf32> to vector<16xf32>
        %swap3A_473 = vector.shape_cast %get3A_468 : vector<16xf32> to vector<1x16xf32>
        tpu.vector_store %arg9[%swap3A_469, %swap3A_470], %swap3A_473 {add = true, strides = array<i32>} : memref<128x128xf32, #tpu.memory_space<vmem>>, vector<1x16xf32>,
        %get3A_474 = arith.index_cast %add3A_410 : i32 to index
        %get3A_475 = arith.constant 112 : index
        %get3A_476 = tpu.vector_load %arg7[%get3A_474, %get3A_475] {strides = array<i32>} : memref<128x128xf32, #tpu.memory_space<vmem>>, vector<1x16xf32>,
        %get3A_477 = vector.shape_cast %get3A_476 : vector<1x16xf32> to vector<16xf32>
        %swap3A_478 = arith.index_cast %add3A_410 : i32 to index
        %swap3A_479 = arith.constant 112 : index
        %swap3A_480 = tpu.vector_load %arg9[%swap3A_478, %swap3A_479] {strides = array<i32>} : memref<128x128xf32, #tpu.memory_space<vmem>>, vector<1x16xf32>,
        %swap3A_481 = vector.shape_cast %swap3A_480 : vector<1x16xf32> to vector<16xf32>
        %swap3A_482 = vector.shape_cast %get3A_477 : vector<16xf32> to vector<1x16xf32>
        tpu.vector_store %arg9[%swap3A_478, %swap3A_479], %swap3A_482 {add = true, strides = array<i32>} : memref<128x128xf32, #tpu.memory_space<vmem>>, vector<1x16xf32>,
      }
      %scan3A_117 = arith.constant 32 : i32
      %add3A_118 = arith.addi %mul3A_0, %add3A_92 : i32
      %dma_start3A_119 = arith.constant 0 : i32
      %dma_start3A_120 = tpu.memref_slice %arg5[%add3A_118, %mul3A_2, %dma_start3A_119] : memref<32x2048x128xf32, #tpu.memory_space<hbm>> -> memref<1x128x128xf32, #tpu.memory_space<hbm>>
      %dma_start3A_121 = tpu.memref_squeeze %dma_start3A_120 : memref<1x128x128xf32, #tpu.memory_space<hbm>> -> memref<128x128xf32, #tpu.memory_space<hbm>>
      %dma_start3A_122 = arith.constant 0 : i32
      %dma_start3A_123 = tpu.memref_slice %arg5[%add3A_118, %mul3A_2, %dma_start3A_122] : memref<32x2048x128xf32, #tpu.memory_space<hbm>> -> memref<1x128x128xf32, #tpu.memory_space<hbm>>
      %dma_start3A_124 = tpu.memref_squeeze %dma_start3A_123 : memref<1x128x128xf32, #tpu.memory_space<hbm>> -> memref<128x128xf32, #tpu.memory_space<hbm>>
      tpu.enqueue_dma source(%arg9 : memref<128x128xf32, #tpu.memory_space<vmem>>) target(%dma_start3A_124 : memref<128x128xf32, #tpu.memory_space<hbm>>) target_semaphore(%arg17 : memref<!tpu.dma_semaphore, #tpu.memory_space<semaphore_mem>>)
      %mul3A_125 = arith.constant 4 : i32
      %mul3A_126 = arith.muli %scan3A_56, %mul3A_125 : i32
      %add3A_127 = arith.constant 2 : i32
      %add3A_128 = arith.addi %mul3A_126, %add3A_127 : i32
      %lt3A = arith.constant 3 : i32
      %lt3A_129 = arith.cmpi slt, %scan3A_56, %lt3A : i32
      %convert_element_type3A_130 = arith.extui %lt3A_129 : i1 to i32
      %cond3A_131 = arith.constant 0 : i32
      %cond3A_132 = arith.cmpi ne, %convert_element_type3A_130, %cond3A_131 : i32
      scf.if %cond3A_132 {
        %dma_wait3A_180 = arith.constant 0 : i32
        %dma_wait3A_181 = arith.constant 0 : i32
        %dma_wait3A_182 = arith.constant 0 : i32
        %dma_wait3A_183 = tpu.memref_slice %arg5[%dma_wait3A_180, %dma_wait3A_181, %dma_wait3A_182] : memref<32x2048x128xf32, #tpu.memory_space<hbm>> -> memref<1x128x128xf32, #tpu.memory_space<hbm>>
        %dma_wait3A_184 = tpu.memref_squeeze %dma_wait3A_183 : memref<1x128x128xf32, #tpu.memory_space<hbm>> -> memref<128x128xf32, #tpu.memory_space<hbm>>
        %dma_wait3A_185 = arith.constant 0 : i32
        %dma_wait3A_186 = arith.constant 0 : i32
        %dma_wait3A_187 = tpu.memref_slice %arg5[%dma_wait3A_180, %dma_wait3A_185, %dma_wait3A_186] : memref<32x2048x128xf32, #tpu.memory_space<hbm>> -> memref<1x128x128xf32, #tpu.memory_space<hbm>>
        %dma_wait3A_188 = tpu.memref_squeeze %dma_wait3A_187 : memref<1x128x128xf32, #tpu.memory_space<hbm>> -> memref<128x128xf32, #tpu.memory_space<hbm>>
        tpu.wait_dma2 semaphore(%arg16 : memref<!tpu.dma_semaphore, #tpu.memory_space<semaphore_mem>>) src(%arg8 : memref<128x128xf32, #tpu.memory_space<vmem>>) dst(%dma_wait3A_188 : memref<128x128xf32, #tpu.memory_space<hbm>>)
        %add3A_189 = arith.constant 2 : i32
        %add3A_190 = arith.addi %add3A_128, %add3A_189 : i32
        %dma_start3A_191 = arith.constant 0 : i32
        %dma_start3A_192 = tpu.memref_slice %arg6[%add3A_190, %dma_start3A_191] : memref<16x128xi32, #tpu.memory_space<vmem>> -> memref<1x128xi32, #tpu.memory_space<vmem>>
        %dma_start3A_193 = tpu.memref_squeeze %dma_start3A_192 : memref<1x128xi32, #tpu.memory_space<vmem>> -> memref<128xi32, #tpu.memory_space<vmem>>
        %dma_start3A_194 = arith.constant 0 : i32
        %dma_start3A_195 = arith.constant 0 : i32
        %dma_start3A_196 = tpu.memref_slice %arg3[%dma_start3A_194, %dma_start3A_195] : memref<100000x128xf32, #tpu.memory_space<hbm>> -> memref<100000x128xf32, #tpu.memory_space<hbm>>
        tpu.enqueue_indirect_dma source(%dma_start3A_196 : memref<100000x128xf32, #tpu.memory_space<hbm>>) target(%arg8 : memref<128x128xf32, #tpu.memory_space<vmem>>) offsets(%dma_start3A_193 : memref<128xi32, #tpu.memory_space<vmem>>) semaphore(%arg12 : memref<!tpu.dma_semaphore, #tpu.memory_space<semaphore_mem>>)
      } else {
      }
      %dma_wait3A_133 = arith.constant 0 : i32
      %dma_wait3A_134 = tpu.memref_slice %arg6[%add3A_128, %dma_wait3A_133] : memref<16x128xi32, #tpu.memory_space<vmem>> -> memref<1x128xi32, #tpu.memory_space<vmem>>
      %dma_wait3A_135 = tpu.memref_squeeze %dma_wait3A_134 : memref<1x128xi32, #tpu.memory_space<vmem>> -> memref<128xi32, #tpu.memory_space<vmem>>
      %dma_wait3A_136 = arith.constant 0 : i32
      %dma_wait3A_137 = arith.constant 0 : i32
      %dma_wait3A_138 = tpu.memref_slice %arg3[%dma_wait3A_136, %dma_wait3A_137] : memref<100000x128xf32, #tpu.memory_space<hbm>> -> memref<100000x128xf32, #tpu.memory_space<hbm>>
      tpu.wait_indirect_dma semaphore(%arg14 : memref<!tpu.dma_semaphore, #tpu.memory_space<semaphore_mem>>) src(%dma_wait3A_138 : memref<100000x128xf32, #tpu.memory_space<hbm>>) dst(%arg10 : memref<128x128xf32, #tpu.memory_space<vmem>>)
      %scan3A_139 = arith.constant 0 : i32
      %scan3A_140 = arith.constant 0 : i32
      %scan3A_141 = arith.constant 32 : i32
      %scan3A_142 = arith.addi %scan3A_140, %scan3A_141 : i32
      %scan3A_143 = arith.constant 1 : i32
      scf.for %scan3A_180 = %scan3A_140 to %scan3A_142 step %scan3A_143  : i32 {
        %mul3A_181 = arith.constant 4 : i32
        %mul3A_182 = arith.muli %scan3A_180, %mul3A_181 : i32
        %add3A_183 = arith.constant 0 : i32
        %add3A_184 = arith.addi %mul3A_182, %add3A_183 : i32
        %get3A = arith.index_cast %add3A_184 : i32 to index
        %get3A_185 = arith.constant 0 : index
        %get3A_186 = tpu.vector_load %arg7[%get3A, %get3A_185] {strides = array<i32>} : memref<128x128xf32, #tpu.memory_space<vmem>>, vector<1x16xf32>,
        %get3A_187 = vector.shape_cast %get3A_186 : vector<1x16xf32> to vector<16xf32>
        %swap3A = arith.index_cast %add3A_184 : i32 to index
        %swap3A_188 = arith.constant 0 : index
        %swap3A_189 = tpu.vector_load %arg10[%swap3A, %swap3A_188] {strides = array<i32>} : memref<128x128xf32, #tpu.memory_space<vmem>>, vector<1x16xf32>,
        %swap3A_190 = vector.shape_cast %swap3A_189 : vector<1x16xf32> to vector<16xf32>
        %swap3A_191 = vector.shape_cast %get3A_187 : vector<16xf32> to vector<1x16xf32>
        tpu.vector_store %arg10[%swap3A, %swap3A_188], %swap3A_191 {add = true, strides = array<i32>} : memref<128x128xf32, #tpu.memory_space<vmem>>, vector<1x16xf32>,
        %get3A_192 = arith.index_cast %add3A_184 : i32 to index
        %get3A_193 = arith.constant 16 : index
        %get3A_194 = tpu.vector_load %arg7[%get3A_192, %get3A_193] {strides = array<i32>} : memref<128x128xf32, #tpu.memory_space<vmem>>, vector<1x16xf32>,
        %get3A_195 = vector.shape_cast %get3A_194 : vector<1x16xf32> to vector<16xf32>
        %swap3A_196 = arith.index_cast %add3A_184 : i32 to index
        %swap3A_197 = arith.constant 16 : index
        %swap3A_198 = tpu.vector_load %arg10[%swap3A_196, %swap3A_197] {strides = array<i32>} : memref<128x128xf32, #tpu.memory_space<vmem>>, vector<1x16xf32>,
        %swap3A_199 = vector.shape_cast %swap3A_198 : vector<1x16xf32> to vector<16xf32>
        %swap3A_200 = vector.shape_cast %get3A_195 : vector<16xf32> to vector<1x16xf32>
        tpu.vector_store %arg10[%swap3A_196, %swap3A_197], %swap3A_200 {add = true, strides = array<i32>} : memref<128x128xf32, #tpu.memory_space<vmem>>, vector<1x16xf32>,
        %get3A_201 = arith.index_cast %add3A_184 : i32 to index
        %get3A_202 = arith.constant 32 : index
        %get3A_203 = tpu.vector_load %arg7[%get3A_201, %get3A_202] {strides = array<i32>} : memref<128x128xf32, #tpu.memory_space<vmem>>, vector<1x16xf32>,
        %get3A_204 = vector.shape_cast %get3A_203 : vector<1x16xf32> to vector<16xf32>
        %swap3A_205 = arith.index_cast %add3A_184 : i32 to index
        %swap3A_206 = arith.constant 32 : index
        %swap3A_207 = tpu.vector_load %arg10[%swap3A_205, %swap3A_206] {strides = array<i32>} : memref<128x128xf32, #tpu.memory_space<vmem>>, vector<1x16xf32>,
        %swap3A_208 = vector.shape_cast %swap3A_207 : vector<1x16xf32> to vector<16xf32>
        %swap3A_209 = vector.shape_cast %get3A_204 : vector<16xf32> to vector<1x16xf32>
        tpu.vector_store %arg10[%swap3A_205, %swap3A_206], %swap3A_209 {add = true, strides = array<i32>} : memref<128x128xf32, #tpu.memory_space<vmem>>, vector<1x16xf32>,
        %get3A_210 = arith.index_cast %add3A_184 : i32 to index
        %get3A_211 = arith.constant 48 : index
        %get3A_212 = tpu.vector_load %arg7[%get3A_210, %get3A_211] {strides = array<i32>} : memref<128x128xf32, #tpu.memory_space<vmem>>, vector<1x16xf32>,
        %get3A_213 = vector.shape_cast %get3A_212 : vector<1x16xf32> to vector<16xf32>
        %swap3A_214 = arith.index_cast %add3A_184 : i32 to index
        %swap3A_215 = arith.constant 48 : index
        %swap3A_216 = tpu.vector_load %arg10[%swap3A_214, %swap3A_215] {strides = array<i32>} : memref<128x128xf32, #tpu.memory_space<vmem>>, vector<1x16xf32>,
        %swap3A_217 = vector.shape_cast %swap3A_216 : vector<1x16xf32> to vector<16xf32>
        %swap3A_218 = vector.shape_cast %get3A_213 : vector<16xf32> to vector<1x16xf32>
        tpu.vector_store %arg10[%swap3A_214, %swap3A_215], %swap3A_218 {add = true, strides = array<i32>} : memref<128x128xf32, #tpu.memory_space<vmem>>, vector<1x16xf32>,
        %get3A_219 = arith.index_cast %add3A_184 : i32 to index
        %get3A_220 = arith.constant 64 : index
        %get3A_221 = tpu.vector_load %arg7[%get3A_219, %get3A_220] {strides = array<i32>} : memref<128x128xf32, #tpu.memory_space<vmem>>, vector<1x16xf32>,
        %get3A_222 = vector.shape_cast %get3A_221 : vector<1x16xf32> to vector<16xf32>
        %swap3A_223 = arith.index_cast %add3A_184 : i32 to index
        %swap3A_224 = arith.constant 64 : index
        %swap3A_225 = tpu.vector_load %arg10[%swap3A_223, %swap3A_224] {strides = array<i32>} : memref<128x128xf32, #tpu.memory_space<vmem>>, vector<1x16xf32>,
        %swap3A_226 = vector.shape_cast %swap3A_225 : vector<1x16xf32> to vector<16xf32>
        %swap3A_227 = vector.shape_cast %get3A_222 : vector<16xf32> to vector<1x16xf32>
        tpu.vector_store %arg10[%swap3A_223, %swap3A_224], %swap3A_227 {add = true, strides = array<i32>} : memref<128x128xf32, #tpu.memory_space<vmem>>, vector<1x16xf32>,
        %get3A_228 = arith.index_cast %add3A_184 : i32 to index
        %get3A_229 = arith.constant 80 : index
        %get3A_230 = tpu.vector_load %arg7[%get3A_228, %get3A_229] {strides = array<i32>} : memref<128x128xf32, #tpu.memory_space<vmem>>, vector<1x16xf32>,
        %get3A_231 = vector.shape_cast %get3A_230 : vector<1x16xf32> to vector<16xf32>
        %swap3A_232 = arith.index_cast %add3A_184 : i32 to index
        %swap3A_233 = arith.constant 80 : index
        %swap3A_234 = tpu.vector_load %arg10[%swap3A_232, %swap3A_233] {strides = array<i32>} : memref<128x128xf32, #tpu.memory_space<vmem>>, vector<1x16xf32>,
        %swap3A_235 = vector.shape_cast %swap3A_234 : vector<1x16xf32> to vector<16xf32>
        %swap3A_236 = vector.shape_cast %get3A_231 : vector<16xf32> to vector<1x16xf32>
        tpu.vector_store %arg10[%swap3A_232, %swap3A_233], %swap3A_236 {add = true, strides = array<i32>} : memref<128x128xf32, #tpu.memory_space<vmem>>, vector<1x16xf32>,
        %get3A_237 = arith.index_cast %add3A_184 : i32 to index
        %get3A_238 = arith.constant 96 : index
        %get3A_239 = tpu.vector_load %arg7[%get3A_237, %get3A_238] {strides = array<i32>} : memref<128x128xf32, #tpu.memory_space<vmem>>, vector<1x16xf32>,
        %get3A_240 = vector.shape_cast %get3A_239 : vector<1x16xf32> to vector<16xf32>
        %swap3A_241 = arith.index_cast %add3A_184 : i32 to index
        %swap3A_242 = arith.constant 96 : index
        %swap3A_243 = tpu.vector_load %arg10[%swap3A_241, %swap3A_242] {strides = array<i32>} : memref<128x128xf32, #tpu.memory_space<vmem>>, vector<1x16xf32>,
        %swap3A_244 = vector.shape_cast %swap3A_243 : vector<1x16xf32> to vector<16xf32>
        %swap3A_245 = vector.shape_cast %get3A_240 : vector<16xf32> to vector<1x16xf32>
        tpu.vector_store %arg10[%swap3A_241, %swap3A_242], %swap3A_245 {add = true, strides = array<i32>} : memref<128x128xf32, #tpu.memory_space<vmem>>, vector<1x16xf32>,
        %get3A_246 = arith.index_cast %add3A_184 : i32 to index
        %get3A_247 = arith.constant 112 : index
        %get3A_248 = tpu.vector_load %arg7[%get3A_246, %get3A_247] {strides = array<i32>} : memref<128x128xf32, #tpu.memory_space<vmem>>, vector<1x16xf32>,
        %get3A_249 = vector.shape_cast %get3A_248 : vector<1x16xf32> to vector<16xf32>
        %swap3A_250 = arith.index_cast %add3A_184 : i32 to index
        %swap3A_251 = arith.constant 112 : index
        %swap3A_252 = tpu.vector_load %arg10[%swap3A_250, %swap3A_251] {strides = array<i32>} : memref<128x128xf32, #tpu.memory_space<vmem>>, vector<1x16xf32>,
        %swap3A_253 = vector.shape_cast %swap3A_252 : vector<1x16xf32> to vector<16xf32>
        %swap3A_254 = vector.shape_cast %get3A_249 : vector<16xf32> to vector<1x16xf32>
        tpu.vector_store %arg10[%swap3A_250, %swap3A_251], %swap3A_254 {add = true, strides = array<i32>} : memref<128x128xf32, #tpu.memory_space<vmem>>, vector<1x16xf32>,
        %mul3A_255 = arith.constant 4 : i32
        %mul3A_256 = arith.muli %scan3A_180, %mul3A_255 : i32
        %add3A_257 = arith.constant 1 : i32
        %add3A_258 = arith.addi %mul3A_256, %add3A_257 : i32
        %get3A_259 = arith.index_cast %add3A_258 : i32 to index
        %get3A_260 = arith.constant 0 : index
        %get3A_261 = tpu.vector_load %arg7[%get3A_259, %get3A_260] {strides = array<i32>} : memref<128x128xf32, #tpu.memory_space<vmem>>, vector<1x16xf32>,
        %get3A_262 = vector.shape_cast %get3A_261 : vector<1x16xf32> to vector<16xf32>
        %swap3A_263 = arith.index_cast %add3A_258 : i32 to index
        %swap3A_264 = arith.constant 0 : index
        %swap3A_265 = tpu.vector_load %arg10[%swap3A_263, %swap3A_264] {strides = array<i32>} : memref<128x128xf32, #tpu.memory_space<vmem>>, vector<1x16xf32>,
        %swap3A_266 = vector.shape_cast %swap3A_265 : vector<1x16xf32> to vector<16xf32>
        %swap3A_267 = vector.shape_cast %get3A_262 : vector<16xf32> to vector<1x16xf32>
        tpu.vector_store %arg10[%swap3A_263, %swap3A_264], %swap3A_267 {add = true, strides = array<i32>} : memref<128x128xf32, #tpu.memory_space<vmem>>, vector<1x16xf32>,
        %get3A_268 = arith.index_cast %add3A_258 : i32 to index
        %get3A_269 = arith.constant 16 : index
        %get3A_270 = tpu.vector_load %arg7[%get3A_268, %get3A_269] {strides = array<i32>} : memref<128x128xf32, #tpu.memory_space<vmem>>, vector<1x16xf32>,
        %get3A_271 = vector.shape_cast %get3A_270 : vector<1x16xf32> to vector<16xf32>
        %swap3A_272 = arith.index_cast %add3A_258 : i32 to index
        %swap3A_273 = arith.constant 16 : index
        %swap3A_274 = tpu.vector_load %arg10[%swap3A_272, %swap3A_273] {strides = array<i32>} : memref<128x128xf32, #tpu.memory_space<vmem>>, vector<1x16xf32>,
        %swap3A_275 = vector.shape_cast %swap3A_274 : vector<1x16xf32> to vector<16xf32>
        %swap3A_276 = vector.shape_cast %get3A_271 : vector<16xf32> to vector<1x16xf32>
        tpu.vector_store %arg10[%swap3A_272, %swap3A_273], %swap3A_276 {add = true, strides = array<i32>} : memref<128x128xf32, #tpu.memory_space<vmem>>, vector<1x16xf32>,
        %get3A_277 = arith.index_cast %add3A_258 : i32 to index
        %get3A_278 = arith.constant 32 : index
        %get3A_279 = tpu.vector_load %arg7[%get3A_277, %get3A_278] {strides = array<i32>} : memref<128x128xf32, #tpu.memory_space<vmem>>, vector<1x16xf32>,
        %get3A_280 = vector.shape_cast %get3A_279 : vector<1x16xf32> to vector<16xf32>
        %swap3A_281 = arith.index_cast %add3A_258 : i32 to index
        %swap3A_282 = arith.constant 32 : index
        %swap3A_283 = tpu.vector_load %arg10[%swap3A_281, %swap3A_282] {strides = array<i32>} : memref<128x128xf32, #tpu.memory_space<vmem>>, vector<1x16xf32>,
        %swap3A_284 = vector.shape_cast %swap3A_283 : vector<1x16xf32> to vector<16xf32>
        %swap3A_285 = vector.shape_cast %get3A_280 : vector<16xf32> to vector<1x16xf32>
        tpu.vector_store %arg10[%swap3A_281, %swap3A_282], %swap3A_285 {add = true, strides = array<i32>} : memref<128x128xf32, #tpu.memory_space<vmem>>, vector<1x16xf32>,
        %get3A_286 = arith.index_cast %add3A_258 : i32 to index
        %get3A_287 = arith.constant 48 : index
        %get3A_288 = tpu.vector_load %arg7[%get3A_286, %get3A_287] {strides = array<i32>} : memref<128x128xf32, #tpu.memory_space<vmem>>, vector<1x16xf32>,
        %get3A_289 = vector.shape_cast %get3A_288 : vector<1x16xf32> to vector<16xf32>
        %swap3A_290 = arith.index_cast %add3A_258 : i32 to index
        %swap3A_291 = arith.constant 48 : index
        %swap3A_292 = tpu.vector_load %arg10[%swap3A_290, %swap3A_291] {strides = array<i32>} : memref<128x128xf32, #tpu.memory_space<vmem>>, vector<1x16xf32>,
        %swap3A_293 = vector.shape_cast %swap3A_292 : vector<1x16xf32> to vector<16xf32>
        %swap3A_294 = vector.shape_cast %get3A_289 : vector<16xf32> to vector<1x16xf32>
        tpu.vector_store %arg10[%swap3A_290, %swap3A_291], %swap3A_294 {add = true, strides = array<i32>} : memref<128x128xf32, #tpu.memory_space<vmem>>, vector<1x16xf32>,
        %get3A_295 = arith.index_cast %add3A_258 : i32 to index
        %get3A_296 = arith.constant 64 : index
        %get3A_297 = tpu.vector_load %arg7[%get3A_295, %get3A_296] {strides = array<i32>} : memref<128x128xf32, #tpu.memory_space<vmem>>, vector<1x16xf32>,
        %get3A_298 = vector.shape_cast %get3A_297 : vector<1x16xf32> to vector<16xf32>
        %swap3A_299 = arith.index_cast %add3A_258 : i32 to index
        %swap3A_300 = arith.constant 64 : index
        %swap3A_301 = tpu.vector_load %arg10[%swap3A_299, %swap3A_300] {strides = array<i32>} : memref<128x128xf32, #tpu.memory_space<vmem>>, vector<1x16xf32>,
        %swap3A_302 = vector.shape_cast %swap3A_301 : vector<1x16xf32> to vector<16xf32>
        %swap3A_303 = vector.shape_cast %get3A_298 : vector<16xf32> to vector<1x16xf32>
        tpu.vector_store %arg10[%swap3A_299, %swap3A_300], %swap3A_303 {add = true, strides = array<i32>} : memref<128x128xf32, #tpu.memory_space<vmem>>, vector<1x16xf32>,
        %get3A_304 = arith.index_cast %add3A_258 : i32 to index
        %get3A_305 = arith.constant 80 : index
        %get3A_306 = tpu.vector_load %arg7[%get3A_304, %get3A_305] {strides = array<i32>} : memref<128x128xf32, #tpu.memory_space<vmem>>, vector<1x16xf32>,
        %get3A_307 = vector.shape_cast %get3A_306 : vector<1x16xf32> to vector<16xf32>
        %swap3A_308 = arith.index_cast %add3A_258 : i32 to index
        %swap3A_309 = arith.constant 80 : index
        %swap3A_310 = tpu.vector_load %arg10[%swap3A_308, %swap3A_309] {strides = array<i32>} : memref<128x128xf32, #tpu.memory_space<vmem>>, vector<1x16xf32>,
        %swap3A_311 = vector.shape_cast %swap3A_310 : vector<1x16xf32> to vector<16xf32>
        %swap3A_312 = vector.shape_cast %get3A_307 : vector<16xf32> to vector<1x16xf32>
        tpu.vector_store %arg10[%swap3A_308, %swap3A_309], %swap3A_312 {add = true, strides = array<i32>} : memref<128x128xf32, #tpu.memory_space<vmem>>, vector<1x16xf32>,
        %get3A_313 = arith.index_cast %add3A_258 : i32 to index
        %get3A_314 = arith.constant 96 : index
        %get3A_315 = tpu.vector_load %arg7[%get3A_313, %get3A_314] {strides = array<i32>} : memref<128x128xf32, #tpu.memory_space<vmem>>, vector<1x16xf32>,
        %get3A_316 = vector.shape_cast %get3A_315 : vector<1x16xf32> to vector<16xf32>
        %swap3A_317 = arith.index_cast %add3A_258 : i32 to index
        %swap3A_318 = arith.constant 96 : index
        %swap3A_319 = tpu.vector_load %arg10[%swap3A_317, %swap3A_318] {strides = array<i32>} : memref<128x128xf32, #tpu.memory_space<vmem>>, vector<1x16xf32>,
        %swap3A_320 = vector.shape_cast %swap3A_319 : vector<1x16xf32> to vector<16xf32>
        %swap3A_321 = vector.shape_cast %get3A_316 : vector<16xf32> to vector<1x16xf32>
        tpu.vector_store %arg10[%swap3A_317, %swap3A_318], %swap3A_321 {add = true, strides = array<i32>} : memref<128x128xf32, #tpu.memory_space<vmem>>, vector<1x16xf32>,
        %get3A_322 = arith.index_cast %add3A_258 : i32 to index
        %get3A_323 = arith.constant 112 : index
        %get3A_324 = tpu.vector_load %arg7[%get3A_322, %get3A_323] {strides = array<i32>} : memref<128x128xf32, #tpu.memory_space<vmem>>, vector<1x16xf32>,
        %get3A_325 = vector.shape_cast %get3A_324 : vector<1x16xf32> to vector<16xf32>
        %swap3A_326 = arith.index_cast %add3A_258 : i32 to index
        %swap3A_327 = arith.constant 112 : index
        %swap3A_328 = tpu.vector_load %arg10[%swap3A_326, %swap3A_327] {strides = array<i32>} : memref<128x128xf32, #tpu.memory_space<vmem>>, vector<1x16xf32>,
        %swap3A_329 = vector.shape_cast %swap3A_328 : vector<1x16xf32> to vector<16xf32>
        %swap3A_330 = vector.shape_cast %get3A_325 : vector<16xf32> to vector<1x16xf32>
        tpu.vector_store %arg10[%swap3A_326, %swap3A_327], %swap3A_330 {add = true, strides = array<i32>} : memref<128x128xf32, #tpu.memory_space<vmem>>, vector<1x16xf32>,
        %mul3A_331 = arith.constant 4 : i32
        %mul3A_332 = arith.muli %scan3A_180, %mul3A_331 : i32
        %add3A_333 = arith.constant 2 : i32
        %add3A_334 = arith.addi %mul3A_332, %add3A_333 : i32
        %get3A_335 = arith.index_cast %add3A_334 : i32 to index
        %get3A_336 = arith.constant 0 : index
        %get3A_337 = tpu.vector_load %arg7[%get3A_335, %get3A_336] {strides = array<i32>} : memref<128x128xf32, #tpu.memory_space<vmem>>, vector<1x16xf32>,
        %get3A_338 = vector.shape_cast %get3A_337 : vector<1x16xf32> to vector<16xf32>
        %swap3A_339 = arith.index_cast %add3A_334 : i32 to index
        %swap3A_340 = arith.constant 0 : index
        %swap3A_341 = tpu.vector_load %arg10[%swap3A_339, %swap3A_340] {strides = array<i32>} : memref<128x128xf32, #tpu.memory_space<vmem>>, vector<1x16xf32>,
        %swap3A_342 = vector.shape_cast %swap3A_341 : vector<1x16xf32> to vector<16xf32>
        %swap3A_343 = vector.shape_cast %get3A_338 : vector<16xf32> to vector<1x16xf32>
        tpu.vector_store %arg10[%swap3A_339, %swap3A_340], %swap3A_343 {add = true, strides = array<i32>} : memref<128x128xf32, #tpu.memory_space<vmem>>, vector<1x16xf32>,
        %get3A_344 = arith.index_cast %add3A_334 : i32 to index
        %get3A_345 = arith.constant 16 : index
        %get3A_346 = tpu.vector_load %arg7[%get3A_344, %get3A_345] {strides = array<i32>} : memref<128x128xf32, #tpu.memory_space<vmem>>, vector<1x16xf32>,
        %get3A_347 = vector.shape_cast %get3A_346 : vector<1x16xf32> to vector<16xf32>
        %swap3A_348 = arith.index_cast %add3A_334 : i32 to index
        %swap3A_349 = arith.constant 16 : index
        %swap3A_350 = tpu.vector_load %arg10[%swap3A_348, %swap3A_349] {strides = array<i32>} : memref<128x128xf32, #tpu.memory_space<vmem>>, vector<1x16xf32>,
        %swap3A_351 = vector.shape_cast %swap3A_350 : vector<1x16xf32> to vector<16xf32>
        %swap3A_352 = vector.shape_cast %get3A_347 : vector<16xf32> to vector<1x16xf32>
        tpu.vector_store %arg10[%swap3A_348, %swap3A_349], %swap3A_352 {add = true, strides = array<i32>} : memref<128x128xf32, #tpu.memory_space<vmem>>, vector<1x16xf32>,
        %get3A_353 = arith.index_cast %add3A_334 : i32 to index
        %get3A_354 = arith.constant 32 : index
        %get3A_355 = tpu.vector_load %arg7[%get3A_353, %get3A_354] {strides = array<i32>} : memref<128x128xf32, #tpu.memory_space<vmem>>, vector<1x16xf32>,
        %get3A_356 = vector.shape_cast %get3A_355 : vector<1x16xf32> to vector<16xf32>
        %swap3A_357 = arith.index_cast %add3A_334 : i32 to index
        %swap3A_358 = arith.constant 32 : index
        %swap3A_359 = tpu.vector_load %arg10[%swap3A_357, %swap3A_358] {strides = array<i32>} : memref<128x128xf32, #tpu.memory_space<vmem>>, vector<1x16xf32>,
        %swap3A_360 = vector.shape_cast %swap3A_359 : vector<1x16xf32> to vector<16xf32>
        %swap3A_361 = vector.shape_cast %get3A_356 : vector<16xf32> to vector<1x16xf32>
        tpu.vector_store %arg10[%swap3A_357, %swap3A_358], %swap3A_361 {add = true, strides = array<i32>} : memref<128x128xf32, #tpu.memory_space<vmem>>, vector<1x16xf32>,
        %get3A_362 = arith.index_cast %add3A_334 : i32 to index
        %get3A_363 = arith.constant 48 : index
        %get3A_364 = tpu.vector_load %arg7[%get3A_362, %get3A_363] {strides = array<i32>} : memref<128x128xf32, #tpu.memory_space<vmem>>, vector<1x16xf32>,
        %get3A_365 = vector.shape_cast %get3A_364 : vector<1x16xf32> to vector<16xf32>
        %swap3A_366 = arith.index_cast %add3A_334 : i32 to index
        %swap3A_367 = arith.constant 48 : index
        %swap3A_368 = tpu.vector_load %arg10[%swap3A_366, %swap3A_367] {strides = array<i32>} : memref<128x128xf32, #tpu.memory_space<vmem>>, vector<1x16xf32>,
        %swap3A_369 = vector.shape_cast %swap3A_368 : vector<1x16xf32> to vector<16xf32>
        %swap3A_370 = vector.shape_cast %get3A_365 : vector<16xf32> to vector<1x16xf32>
        tpu.vector_store %arg10[%swap3A_366, %swap3A_367], %swap3A_370 {add = true, strides = array<i32>} : memref<128x128xf32, #tpu.memory_space<vmem>>, vector<1x16xf32>,
        %get3A_371 = arith.index_cast %add3A_334 : i32 to index
        %get3A_372 = arith.constant 64 : index
        %get3A_373 = tpu.vector_load %arg7[%get3A_371, %get3A_372] {strides = array<i32>} : memref<128x128xf32, #tpu.memory_space<vmem>>, vector<1x16xf32>,
        %get3A_374 = vector.shape_cast %get3A_373 : vector<1x16xf32> to vector<16xf32>
        %swap3A_375 = arith.index_cast %add3A_334 : i32 to index
        %swap3A_376 = arith.constant 64 : index
        %swap3A_377 = tpu.vector_load %arg10[%swap3A_375, %swap3A_376] {strides = array<i32>} : memref<128x128xf32, #tpu.memory_space<vmem>>, vector<1x16xf32>,
        %swap3A_378 = vector.shape_cast %swap3A_377 : vector<1x16xf32> to vector<16xf32>
        %swap3A_379 = vector.shape_cast %get3A_374 : vector<16xf32> to vector<1x16xf32>
        tpu.vector_store %arg10[%swap3A_375, %swap3A_376], %swap3A_379 {add = true, strides = array<i32>} : memref<128x128xf32, #tpu.memory_space<vmem>>, vector<1x16xf32>,
        %get3A_380 = arith.index_cast %add3A_334 : i32 to index
        %get3A_381 = arith.constant 80 : index
        %get3A_382 = tpu.vector_load %arg7[%get3A_380, %get3A_381] {strides = array<i32>} : memref<128x128xf32, #tpu.memory_space<vmem>>, vector<1x16xf32>,
        %get3A_383 = vector.shape_cast %get3A_382 : vector<1x16xf32> to vector<16xf32>
        %swap3A_384 = arith.index_cast %add3A_334 : i32 to index
        %swap3A_385 = arith.constant 80 : index
        %swap3A_386 = tpu.vector_load %arg10[%swap3A_384, %swap3A_385] {strides = array<i32>} : memref<128x128xf32, #tpu.memory_space<vmem>>, vector<1x16xf32>,
        %swap3A_387 = vector.shape_cast %swap3A_386 : vector<1x16xf32> to vector<16xf32>
        %swap3A_388 = vector.shape_cast %get3A_383 : vector<16xf32> to vector<1x16xf32>
        tpu.vector_store %arg10[%swap3A_384, %swap3A_385], %swap3A_388 {add = true, strides = array<i32>} : memref<128x128xf32, #tpu.memory_space<vmem>>, vector<1x16xf32>,
        %get3A_389 = arith.index_cast %add3A_334 : i32 to index
        %get3A_390 = arith.constant 96 : index
        %get3A_391 = tpu.vector_load %arg7[%get3A_389, %get3A_390] {strides = array<i32>} : memref<128x128xf32, #tpu.memory_space<vmem>>, vector<1x16xf32>,
        %get3A_392 = vector.shape_cast %get3A_391 : vector<1x16xf32> to vector<16xf32>
        %swap3A_393 = arith.index_cast %add3A_334 : i32 to index
        %swap3A_394 = arith.constant 96 : index
        %swap3A_395 = tpu.vector_load %arg10[%swap3A_393, %swap3A_394] {strides = array<i32>} : memref<128x128xf32, #tpu.memory_space<vmem>>, vector<1x16xf32>,
        %swap3A_396 = vector.shape_cast %swap3A_395 : vector<1x16xf32> to vector<16xf32>
        %swap3A_397 = vector.shape_cast %get3A_392 : vector<16xf32> to vector<1x16xf32>
        tpu.vector_store %arg10[%swap3A_393, %swap3A_394], %swap3A_397 {add = true, strides = array<i32>} : memref<128x128xf32, #tpu.memory_space<vmem>>, vector<1x16xf32>,
        %get3A_398 = arith.index_cast %add3A_334 : i32 to index
        %get3A_399 = arith.constant 112 : index
        %get3A_400 = tpu.vector_load %arg7[%get3A_398, %get3A_399] {strides = array<i32>} : memref<128x128xf32, #tpu.memory_space<vmem>>, vector<1x16xf32>,
        %get3A_401 = vector.shape_cast %get3A_400 : vector<1x16xf32> to vector<16xf32>
        %swap3A_402 = arith.index_cast %add3A_334 : i32 to index
        %swap3A_403 = arith.constant 112 : index
        %swap3A_404 = tpu.vector_load %arg10[%swap3A_402, %swap3A_403] {strides = array<i32>} : memref<128x128xf32, #tpu.memory_space<vmem>>, vector<1x16xf32>,
        %swap3A_405 = vector.shape_cast %swap3A_404 : vector<1x16xf32> to vector<16xf32>
        %swap3A_406 = vector.shape_cast %get3A_401 : vector<16xf32> to vector<1x16xf32>
        tpu.vector_store %arg10[%swap3A_402, %swap3A_403], %swap3A_406 {add = true, strides = array<i32>} : memref<128x128xf32, #tpu.memory_space<vmem>>, vector<1x16xf32>,
        %mul3A_407 = arith.constant 4 : i32
        %mul3A_408 = arith.muli %scan3A_180, %mul3A_407 : i32
        %add3A_409 = arith.constant 3 : i32
        %add3A_410 = arith.addi %mul3A_408, %add3A_409 : i32
        %get3A_411 = arith.index_cast %add3A_410 : i32 to index
        %get3A_412 = arith.constant 0 : index
        %get3A_413 = tpu.vector_load %arg7[%get3A_411, %get3A_412] {strides = array<i32>} : memref<128x128xf32, #tpu.memory_space<vmem>>, vector<1x16xf32>,
        %get3A_414 = vector.shape_cast %get3A_413 : vector<1x16xf32> to vector<16xf32>
        %swap3A_415 = arith.index_cast %add3A_410 : i32 to index
        %swap3A_416 = arith.constant 0 : index
        %swap3A_417 = tpu.vector_load %arg10[%swap3A_415, %swap3A_416] {strides = array<i32>} : memref<128x128xf32, #tpu.memory_space<vmem>>, vector<1x16xf32>,
        %swap3A_418 = vector.shape_cast %swap3A_417 : vector<1x16xf32> to vector<16xf32>
        %swap3A_419 = vector.shape_cast %get3A_414 : vector<16xf32> to vector<1x16xf32>
        tpu.vector_store %arg10[%swap3A_415, %swap3A_416], %swap3A_419 {add = true, strides = array<i32>} : memref<128x128xf32, #tpu.memory_space<vmem>>, vector<1x16xf32>,
        %get3A_420 = arith.index_cast %add3A_410 : i32 to index
        %get3A_421 = arith.constant 16 : index
        %get3A_422 = tpu.vector_load %arg7[%get3A_420, %get3A_421] {strides = array<i32>} : memref<128x128xf32, #tpu.memory_space<vmem>>, vector<1x16xf32>,
        %get3A_423 = vector.shape_cast %get3A_422 : vector<1x16xf32> to vector<16xf32>
        %swap3A_424 = arith.index_cast %add3A_410 : i32 to index
        %swap3A_425 = arith.constant 16 : index
        %swap3A_426 = tpu.vector_load %arg10[%swap3A_424, %swap3A_425] {strides = array<i32>} : memref<128x128xf32, #tpu.memory_space<vmem>>, vector<1x16xf32>,
        %swap3A_427 = vector.shape_cast %swap3A_426 : vector<1x16xf32> to vector<16xf32>
        %swap3A_428 = vector.shape_cast %get3A_423 : vector<16xf32> to vector<1x16xf32>
        tpu.vector_store %arg10[%swap3A_424, %swap3A_425], %swap3A_428 {add = true, strides = array<i32>} : memref<128x128xf32, #tpu.memory_space<vmem>>, vector<1x16xf32>,
        %get3A_429 = arith.index_cast %add3A_410 : i32 to index
        %get3A_430 = arith.constant 32 : index
        %get3A_431 = tpu.vector_load %arg7[%get3A_429, %get3A_430] {strides = array<i32>} : memref<128x128xf32, #tpu.memory_space<vmem>>, vector<1x16xf32>,
        %get3A_432 = vector.shape_cast %get3A_431 : vector<1x16xf32> to vector<16xf32>
        %swap3A_433 = arith.index_cast %add3A_410 : i32 to index
        %swap3A_434 = arith.constant 32 : index
        %swap3A_435 = tpu.vector_load %arg10[%swap3A_433, %swap3A_434] {strides = array<i32>} : memref<128x128xf32, #tpu.memory_space<vmem>>, vector<1x16xf32>,
        %swap3A_436 = vector.shape_cast %swap3A_435 : vector<1x16xf32> to vector<16xf32>
        %swap3A_437 = vector.shape_cast %get3A_432 : vector<16xf32> to vector<1x16xf32>
        tpu.vector_store %arg10[%swap3A_433, %swap3A_434], %swap3A_437 {add = true, strides = array<i32>} : memref<128x128xf32, #tpu.memory_space<vmem>>, vector<1x16xf32>,
        %get3A_438 = arith.index_cast %add3A_410 : i32 to index
        %get3A_439 = arith.constant 48 : index
        %get3A_440 = tpu.vector_load %arg7[%get3A_438, %get3A_439] {strides = array<i32>} : memref<128x128xf32, #tpu.memory_space<vmem>>, vector<1x16xf32>,
        %get3A_441 = vector.shape_cast %get3A_440 : vector<1x16xf32> to vector<16xf32>
        %swap3A_442 = arith.index_cast %add3A_410 : i32 to index
        %swap3A_443 = arith.constant 48 : index
        %swap3A_444 = tpu.vector_load %arg10[%swap3A_442, %swap3A_443] {strides = array<i32>} : memref<128x128xf32, #tpu.memory_space<vmem>>, vector<1x16xf32>,
        %swap3A_445 = vector.shape_cast %swap3A_444 : vector<1x16xf32> to vector<16xf32>
        %swap3A_446 = vector.shape_cast %get3A_441 : vector<16xf32> to vector<1x16xf32>
        tpu.vector_store %arg10[%swap3A_442, %swap3A_443], %swap3A_446 {add = true, strides = array<i32>} : memref<128x128xf32, #tpu.memory_space<vmem>>, vector<1x16xf32>,
        %get3A_447 = arith.index_cast %add3A_410 : i32 to index
        %get3A_448 = arith.constant 64 : index
        %get3A_449 = tpu.vector_load %arg7[%get3A_447, %get3A_448] {strides = array<i32>} : memref<128x128xf32, #tpu.memory_space<vmem>>, vector<1x16xf32>,
        %get3A_450 = vector.shape_cast %get3A_449 : vector<1x16xf32> to vector<16xf32>
        %swap3A_451 = arith.index_cast %add3A_410 : i32 to index
        %swap3A_452 = arith.constant 64 : index
        %swap3A_453 = tpu.vector_load %arg10[%swap3A_451, %swap3A_452] {strides = array<i32>} : memref<128x128xf32, #tpu.memory_space<vmem>>, vector<1x16xf32>,
        %swap3A_454 = vector.shape_cast %swap3A_453 : vector<1x16xf32> to vector<16xf32>
        %swap3A_455 = vector.shape_cast %get3A_450 : vector<16xf32> to vector<1x16xf32>
        tpu.vector_store %arg10[%swap3A_451, %swap3A_452], %swap3A_455 {add = true, strides = array<i32>} : memref<128x128xf32, #tpu.memory_space<vmem>>, vector<1x16xf32>,
        %get3A_456 = arith.index_cast %add3A_410 : i32 to index
        %get3A_457 = arith.constant 80 : index
        %get3A_458 = tpu.vector_load %arg7[%get3A_456, %get3A_457] {strides = array<i32>} : memref<128x128xf32, #tpu.memory_space<vmem>>, vector<1x16xf32>,
        %get3A_459 = vector.shape_cast %get3A_458 : vector<1x16xf32> to vector<16xf32>
        %swap3A_460 = arith.index_cast %add3A_410 : i32 to index
        %swap3A_461 = arith.constant 80 : index
        %swap3A_462 = tpu.vector_load %arg10[%swap3A_460, %swap3A_461] {strides = array<i32>} : memref<128x128xf32, #tpu.memory_space<vmem>>, vector<1x16xf32>,
        %swap3A_463 = vector.shape_cast %swap3A_462 : vector<1x16xf32> to vector<16xf32>
        %swap3A_464 = vector.shape_cast %get3A_459 : vector<16xf32> to vector<1x16xf32>
        tpu.vector_store %arg10[%swap3A_460, %swap3A_461], %swap3A_464 {add = true, strides = array<i32>} : memref<128x128xf32, #tpu.memory_space<vmem>>, vector<1x16xf32>,
        %get3A_465 = arith.index_cast %add3A_410 : i32 to index
        %get3A_466 = arith.constant 96 : index
        %get3A_467 = tpu.vector_load %arg7[%get3A_465, %get3A_466] {strides = array<i32>} : memref<128x128xf32, #tpu.memory_space<vmem>>, vector<1x16xf32>,
        %get3A_468 = vector.shape_cast %get3A_467 : vector<1x16xf32> to vector<16xf32>
        %swap3A_469 = arith.index_cast %add3A_410 : i32 to index
        %swap3A_470 = arith.constant 96 : index
        %swap3A_471 = tpu.vector_load %arg10[%swap3A_469, %swap3A_470] {strides = array<i32>} : memref<128x128xf32, #tpu.memory_space<vmem>>, vector<1x16xf32>,
        %swap3A_472 = vector.shape_cast %swap3A_471 : vector<1x16xf32> to vector<16xf32>
        %swap3A_473 = vector.shape_cast %get3A_468 : vector<16xf32> to vector<1x16xf32>
        tpu.vector_store %arg10[%swap3A_469, %swap3A_470], %swap3A_473 {add = true, strides = array<i32>} : memref<128x128xf32, #tpu.memory_space<vmem>>, vector<1x16xf32>,
        %get3A_474 = arith.index_cast %add3A_410 : i32 to index
        %get3A_475 = arith.constant 112 : index
        %get3A_476 = tpu.vector_load %arg7[%get3A_474, %get3A_475] {strides = array<i32>} : memref<128x128xf32, #tpu.memory_space<vmem>>, vector<1x16xf32>,
        %get3A_477 = vector.shape_cast %get3A_476 : vector<1x16xf32> to vector<16xf32>
        %swap3A_478 = arith.index_cast %add3A_410 : i32 to index
        %swap3A_479 = arith.constant 112 : index
        %swap3A_480 = tpu.vector_load %arg10[%swap3A_478, %swap3A_479] {strides = array<i32>} : memref<128x128xf32, #tpu.memory_space<vmem>>, vector<1x16xf32>,
        %swap3A_481 = vector.shape_cast %swap3A_480 : vector<1x16xf32> to vector<16xf32>
        %swap3A_482 = vector.shape_cast %get3A_477 : vector<16xf32> to vector<1x16xf32>
        tpu.vector_store %arg10[%swap3A_478, %swap3A_479], %swap3A_482 {add = true, strides = array<i32>} : memref<128x128xf32, #tpu.memory_space<vmem>>, vector<1x16xf32>,
      }
      %scan3A_144 = arith.constant 32 : i32
      %add3A_145 = arith.addi %mul3A_0, %add3A_128 : i32
      %dma_start3A_146 = arith.constant 0 : i32
      %dma_start3A_147 = tpu.memref_slice %arg5[%add3A_145, %mul3A_2, %dma_start3A_146] : memref<32x2048x128xf32, #tpu.memory_space<hbm>> -> memref<1x128x128xf32, #tpu.memory_space<hbm>>
      %dma_start3A_148 = tpu.memref_squeeze %dma_start3A_147 : memref<1x128x128xf32, #tpu.memory_space<hbm>> -> memref<128x128xf32, #tpu.memory_space<hbm>>
      %dma_start3A_149 = arith.constant 0 : i32
      %dma_start3A_150 = tpu.memref_slice %arg5[%add3A_145, %mul3A_2, %dma_start3A_149] : memref<32x2048x128xf32, #tpu.memory_space<hbm>> -> memref<1x128x128xf32, #tpu.memory_space<hbm>>
      %dma_start3A_151 = tpu.memref_squeeze %dma_start3A_150 : memref<1x128x128xf32, #tpu.memory_space<hbm>> -> memref<128x128xf32, #tpu.memory_space<hbm>>
      tpu.enqueue_dma source(%arg10 : memref<128x128xf32, #tpu.memory_space<vmem>>) target(%dma_start3A_151 : memref<128x128xf32, #tpu.memory_space<hbm>>) target_semaphore(%arg18 : memref<!tpu.dma_semaphore, #tpu.memory_space<semaphore_mem>>)
      %mul3A_152 = arith.constant 4 : i32
      %mul3A_153 = arith.muli %scan3A_56, %mul3A_152 : i32
      %add3A_154 = arith.constant 3 : i32
      %add3A_155 = arith.addi %mul3A_153, %add3A_154 : i32
      %lt3A_156 = arith.constant 3 : i32
      %lt3A_157 = arith.cmpi slt, %scan3A_56, %lt3A_156 : i32
      %convert_element_type3A_158 = arith.extui %lt3A_157 : i1 to i32
      %cond3A_159 = arith.constant 0 : i32
      %cond3A_160 = arith.cmpi ne, %convert_element_type3A_158, %cond3A_159 : i32
      scf.if %cond3A_160 {
        %dma_wait3A_180 = arith.constant 0 : i32
        %dma_wait3A_181 = arith.constant 0 : i32
        %dma_wait3A_182 = arith.constant 0 : i32
        %dma_wait3A_183 = tpu.memref_slice %arg5[%dma_wait3A_180, %dma_wait3A_181, %dma_wait3A_182] : memref<32x2048x128xf32, #tpu.memory_space<hbm>> -> memref<1x128x128xf32, #tpu.memory_space<hbm>>
        %dma_wait3A_184 = tpu.memref_squeeze %dma_wait3A_183 : memref<1x128x128xf32, #tpu.memory_space<hbm>> -> memref<128x128xf32, #tpu.memory_space<hbm>>
        %dma_wait3A_185 = arith.constant 0 : i32
        %dma_wait3A_186 = arith.constant 0 : i32
        %dma_wait3A_187 = tpu.memref_slice %arg5[%dma_wait3A_180, %dma_wait3A_185, %dma_wait3A_186] : memref<32x2048x128xf32, #tpu.memory_space<hbm>> -> memref<1x128x128xf32, #tpu.memory_space<hbm>>
        %dma_wait3A_188 = tpu.memref_squeeze %dma_wait3A_187 : memref<1x128x128xf32, #tpu.memory_space<hbm>> -> memref<128x128xf32, #tpu.memory_space<hbm>>
        tpu.wait_dma2 semaphore(%arg17 : memref<!tpu.dma_semaphore, #tpu.memory_space<semaphore_mem>>) src(%arg9 : memref<128x128xf32, #tpu.memory_space<vmem>>) dst(%dma_wait3A_188 : memref<128x128xf32, #tpu.memory_space<hbm>>)
        %add3A_189 = arith.constant 2 : i32
        %add3A_190 = arith.addi %add3A_155, %add3A_189 : i32
        %dma_start3A_191 = arith.constant 0 : i32
        %dma_start3A_192 = tpu.memref_slice %arg6[%add3A_190, %dma_start3A_191] : memref<16x128xi32, #tpu.memory_space<vmem>> -> memref<1x128xi32, #tpu.memory_space<vmem>>
        %dma_start3A_193 = tpu.memref_squeeze %dma_start3A_192 : memref<1x128xi32, #tpu.memory_space<vmem>> -> memref<128xi32, #tpu.memory_space<vmem>>
        %dma_start3A_194 = arith.constant 0 : i32
        %dma_start3A_195 = arith.constant 0 : i32
        %dma_start3A_196 = tpu.memref_slice %arg3[%dma_start3A_194, %dma_start3A_195] : memref<100000x128xf32, #tpu.memory_space<hbm>> -> memref<100000x128xf32, #tpu.memory_space<hbm>>
        tpu.enqueue_indirect_dma source(%dma_start3A_196 : memref<100000x128xf32, #tpu.memory_space<hbm>>) target(%arg9 : memref<128x128xf32, #tpu.memory_space<vmem>>) offsets(%dma_start3A_193 : memref<128xi32, #tpu.memory_space<vmem>>) semaphore(%arg13 : memref<!tpu.dma_semaphore, #tpu.memory_space<semaphore_mem>>)
      } else {
      }
      %dma_wait3A_161 = arith.constant 0 : i32
      %dma_wait3A_162 = tpu.memref_slice %arg6[%add3A_155, %dma_wait3A_161] : memref<16x128xi32, #tpu.memory_space<vmem>> -> memref<1x128xi32, #tpu.memory_space<vmem>>
      %dma_wait3A_163 = tpu.memref_squeeze %dma_wait3A_162 : memref<1x128xi32, #tpu.memory_space<vmem>> -> memref<128xi32, #tpu.memory_space<vmem>>
      %dma_wait3A_164 = arith.constant 0 : i32
      %dma_wait3A_165 = arith.constant 0 : i32
      %dma_wait3A_166 = tpu.memref_slice %arg3[%dma_wait3A_164, %dma_wait3A_165] : memref<100000x128xf32, #tpu.memory_space<hbm>> -> memref<100000x128xf32, #tpu.memory_space<hbm>>
      tpu.wait_indirect_dma semaphore(%arg15 : memref<!tpu.dma_semaphore, #tpu.memory_space<semaphore_mem>>) src(%dma_wait3A_166 : memref<100000x128xf32, #tpu.memory_space<hbm>>) dst(%arg11 : memref<128x128xf32, #tpu.memory_space<vmem>>)
      %scan3A_167 = arith.constant 0 : i32
      %scan3A_168 = arith.constant 0 : i32
      %scan3A_169 = arith.constant 32 : i32
      %scan3A_170 = arith.addi %scan3A_168, %scan3A_169 : i32
      %scan3A_171 = arith.constant 1 : i32
      scf.for %scan3A_180 = %scan3A_168 to %scan3A_170 step %scan3A_171  : i32 {
        %mul3A_181 = arith.constant 4 : i32
        %mul3A_182 = arith.muli %scan3A_180, %mul3A_181 : i32
        %add3A_183 = arith.constant 0 : i32
        %add3A_184 = arith.addi %mul3A_182, %add3A_183 : i32
        %get3A = arith.index_cast %add3A_184 : i32 to index
        %get3A_185 = arith.constant 0 : index
        %get3A_186 = tpu.vector_load %arg7[%get3A, %get3A_185] {strides = array<i32>} : memref<128x128xf32, #tpu.memory_space<vmem>>, vector<1x16xf32>,
        %get3A_187 = vector.shape_cast %get3A_186 : vector<1x16xf32> to vector<16xf32>
        %swap3A = arith.index_cast %add3A_184 : i32 to index
        %swap3A_188 = arith.constant 0 : index
        %swap3A_189 = tpu.vector_load %arg11[%swap3A, %swap3A_188] {strides = array<i32>} : memref<128x128xf32, #tpu.memory_space<vmem>>, vector<1x16xf32>,
        %swap3A_190 = vector.shape_cast %swap3A_189 : vector<1x16xf32> to vector<16xf32>
        %swap3A_191 = vector.shape_cast %get3A_187 : vector<16xf32> to vector<1x16xf32>
        tpu.vector_store %arg11[%swap3A, %swap3A_188], %swap3A_191 {add = true, strides = array<i32>} : memref<128x128xf32, #tpu.memory_space<vmem>>, vector<1x16xf32>,
        %get3A_192 = arith.index_cast %add3A_184 : i32 to index
        %get3A_193 = arith.constant 16 : index
        %get3A_194 = tpu.vector_load %arg7[%get3A_192, %get3A_193] {strides = array<i32>} : memref<128x128xf32, #tpu.memory_space<vmem>>, vector<1x16xf32>,
        %get3A_195 = vector.shape_cast %get3A_194 : vector<1x16xf32> to vector<16xf32>
        %swap3A_196 = arith.index_cast %add3A_184 : i32 to index
        %swap3A_197 = arith.constant 16 : index
        %swap3A_198 = tpu.vector_load %arg11[%swap3A_196, %swap3A_197] {strides = array<i32>} : memref<128x128xf32, #tpu.memory_space<vmem>>, vector<1x16xf32>,
        %swap3A_199 = vector.shape_cast %swap3A_198 : vector<1x16xf32> to vector<16xf32>
        %swap3A_200 = vector.shape_cast %get3A_195 : vector<16xf32> to vector<1x16xf32>
        tpu.vector_store %arg11[%swap3A_196, %swap3A_197], %swap3A_200 {add = true, strides = array<i32>} : memref<128x128xf32, #tpu.memory_space<vmem>>, vector<1x16xf32>,
        %get3A_201 = arith.index_cast %add3A_184 : i32 to index
        %get3A_202 = arith.constant 32 : index
        %get3A_203 = tpu.vector_load %arg7[%get3A_201, %get3A_202] {strides = array<i32>} : memref<128x128xf32, #tpu.memory_space<vmem>>, vector<1x16xf32>,
        %get3A_204 = vector.shape_cast %get3A_203 : vector<1x16xf32> to vector<16xf32>
        %swap3A_205 = arith.index_cast %add3A_184 : i32 to index
        %swap3A_206 = arith.constant 32 : index
        %swap3A_207 = tpu.vector_load %arg11[%swap3A_205, %swap3A_206] {strides = array<i32>} : memref<128x128xf32, #tpu.memory_space<vmem>>, vector<1x16xf32>,
        %swap3A_208 = vector.shape_cast %swap3A_207 : vector<1x16xf32> to vector<16xf32>
        %swap3A_209 = vector.shape_cast %get3A_204 : vector<16xf32> to vector<1x16xf32>
        tpu.vector_store %arg11[%swap3A_205, %swap3A_206], %swap3A_209 {add = true, strides = array<i32>} : memref<128x128xf32, #tpu.memory_space<vmem>>, vector<1x16xf32>,
        %get3A_210 = arith.index_cast %add3A_184 : i32 to index
        %get3A_211 = arith.constant 48 : index
        %get3A_212 = tpu.vector_load %arg7[%get3A_210, %get3A_211] {strides = array<i32>} : memref<128x128xf32, #tpu.memory_space<vmem>>, vector<1x16xf32>,
        %get3A_213 = vector.shape_cast %get3A_212 : vector<1x16xf32> to vector<16xf32>
        %swap3A_214 = arith.index_cast %add3A_184 : i32 to index
        %swap3A_215 = arith.constant 48 : index
        %swap3A_216 = tpu.vector_load %arg11[%swap3A_214, %swap3A_215] {strides = array<i32>} : memref<128x128xf32, #tpu.memory_space<vmem>>, vector<1x16xf32>,
        %swap3A_217 = vector.shape_cast %swap3A_216 : vector<1x16xf32> to vector<16xf32>
        %swap3A_218 = vector.shape_cast %get3A_213 : vector<16xf32> to vector<1x16xf32>
        tpu.vector_store %arg11[%swap3A_214, %swap3A_215], %swap3A_218 {add = true, strides = array<i32>} : memref<128x128xf32, #tpu.memory_space<vmem>>, vector<1x16xf32>,
        %get3A_219 = arith.index_cast %add3A_184 : i32 to index
        %get3A_220 = arith.constant 64 : index
        %get3A_221 = tpu.vector_load %arg7[%get3A_219, %get3A_220] {strides = array<i32>} : memref<128x128xf32, #tpu.memory_space<vmem>>, vector<1x16xf32>,
        %get3A_222 = vector.shape_cast %get3A_221 : vector<1x16xf32> to vector<16xf32>
        %swap3A_223 = arith.index_cast %add3A_184 : i32 to index
        %swap3A_224 = arith.constant 64 : index
        %swap3A_225 = tpu.vector_load %arg11[%swap3A_223, %swap3A_224] {strides = array<i32>} : memref<128x128xf32, #tpu.memory_space<vmem>>, vector<1x16xf32>,
        %swap3A_226 = vector.shape_cast %swap3A_225 : vector<1x16xf32> to vector<16xf32>
        %swap3A_227 = vector.shape_cast %get3A_222 : vector<16xf32> to vector<1x16xf32>
        tpu.vector_store %arg11[%swap3A_223, %swap3A_224], %swap3A_227 {add = true, strides = array<i32>} : memref<128x128xf32, #tpu.memory_space<vmem>>, vector<1x16xf32>,
        %get3A_228 = arith.index_cast %add3A_184 : i32 to index
        %get3A_229 = arith.constant 80 : index
        %get3A_230 = tpu.vector_load %arg7[%get3A_228, %get3A_229] {strides = array<i32>} : memref<128x128xf32, #tpu.memory_space<vmem>>, vector<1x16xf32>,
        %get3A_231 = vector.shape_cast %get3A_230 : vector<1x16xf32> to vector<16xf32>
        %swap3A_232 = arith.index_cast %add3A_184 : i32 to index
        %swap3A_233 = arith.constant 80 : index
        %swap3A_234 = tpu.vector_load %arg11[%swap3A_232, %swap3A_233] {strides = array<i32>} : memref<128x128xf32, #tpu.memory_space<vmem>>, vector<1x16xf32>,
        %swap3A_235 = vector.shape_cast %swap3A_234 : vector<1x16xf32> to vector<16xf32>
        %swap3A_236 = vector.shape_cast %get3A_231 : vector<16xf32> to vector<1x16xf32>
        tpu.vector_store %arg11[%swap3A_232, %swap3A_233], %swap3A_236 {add = true, strides = array<i32>} : memref<128x128xf32, #tpu.memory_space<vmem>>, vector<1x16xf32>,
        %get3A_237 = arith.index_cast %add3A_184 : i32 to index
        %get3A_238 = arith.constant 96 : index
        %get3A_239 = tpu.vector_load %arg7[%get3A_237, %get3A_238] {strides = array<i32>} : memref<128x128xf32, #tpu.memory_space<vmem>>, vector<1x16xf32>,
        %get3A_240 = vector.shape_cast %get3A_239 : vector<1x16xf32> to vector<16xf32>
        %swap3A_241 = arith.index_cast %add3A_184 : i32 to index
        %swap3A_242 = arith.constant 96 : index
        %swap3A_243 = tpu.vector_load %arg11[%swap3A_241, %swap3A_242] {strides = array<i32>} : memref<128x128xf32, #tpu.memory_space<vmem>>, vector<1x16xf32>,
        %swap3A_244 = vector.shape_cast %swap3A_243 : vector<1x16xf32> to vector<16xf32>
        %swap3A_245 = vector.shape_cast %get3A_240 : vector<16xf32> to vector<1x16xf32>
        tpu.vector_store %arg11[%swap3A_241, %swap3A_242], %swap3A_245 {add = true, strides = array<i32>} : memref<128x128xf32, #tpu.memory_space<vmem>>, vector<1x16xf32>,
        %get3A_246 = arith.index_cast %add3A_184 : i32 to index
        %get3A_247 = arith.constant 112 : index
        %get3A_248 = tpu.vector_load %arg7[%get3A_246, %get3A_247] {strides = array<i32>} : memref<128x128xf32, #tpu.memory_space<vmem>>, vector<1x16xf32>,
        %get3A_249 = vector.shape_cast %get3A_248 : vector<1x16xf32> to vector<16xf32>
        %swap3A_250 = arith.index_cast %add3A_184 : i32 to index
        %swap3A_251 = arith.constant 112 : index
        %swap3A_252 = tpu.vector_load %arg11[%swap3A_250, %swap3A_251] {strides = array<i32>} : memref<128x128xf32, #tpu.memory_space<vmem>>, vector<1x16xf32>,
        %swap3A_253 = vector.shape_cast %swap3A_252 : vector<1x16xf32> to vector<16xf32>
        %swap3A_254 = vector.shape_cast %get3A_249 : vector<16xf32> to vector<1x16xf32>
        tpu.vector_store %arg11[%swap3A_250, %swap3A_251], %swap3A_254 {add = true, strides = array<i32>} : memref<128x128xf32, #tpu.memory_space<vmem>>, vector<1x16xf32>,
        %mul3A_255 = arith.constant 4 : i32
        %mul3A_256 = arith.muli %scan3A_180, %mul3A_255 : i32
        %add3A_257 = arith.constant 1 : i32
        %add3A_258 = arith.addi %mul3A_256, %add3A_257 : i32
        %get3A_259 = arith.index_cast %add3A_258 : i32 to index
        %get3A_260 = arith.constant 0 : index
        %get3A_261 = tpu.vector_load %arg7[%get3A_259, %get3A_260] {strides = array<i32>} : memref<128x128xf32, #tpu.memory_space<vmem>>, vector<1x16xf32>,
        %get3A_262 = vector.shape_cast %get3A_261 : vector<1x16xf32> to vector<16xf32>
        %swap3A_263 = arith.index_cast %add3A_258 : i32 to index
        %swap3A_264 = arith.constant 0 : index
        %swap3A_265 = tpu.vector_load %arg11[%swap3A_263, %swap3A_264] {strides = array<i32>} : memref<128x128xf32, #tpu.memory_space<vmem>>, vector<1x16xf32>,
        %swap3A_266 = vector.shape_cast %swap3A_265 : vector<1x16xf32> to vector<16xf32>
        %swap3A_267 = vector.shape_cast %get3A_262 : vector<16xf32> to vector<1x16xf32>
        tpu.vector_store %arg11[%swap3A_263, %swap3A_264], %swap3A_267 {add = true, strides = array<i32>} : memref<128x128xf32, #tpu.memory_space<vmem>>, vector<1x16xf32>,
        %get3A_268 = arith.index_cast %add3A_258 : i32 to index
        %get3A_269 = arith.constant 16 : index
        %get3A_270 = tpu.vector_load %arg7[%get3A_268, %get3A_269] {strides = array<i32>} : memref<128x128xf32, #tpu.memory_space<vmem>>, vector<1x16xf32>,
        %get3A_271 = vector.shape_cast %get3A_270 : vector<1x16xf32> to vector<16xf32>
        %swap3A_272 = arith.index_cast %add3A_258 : i32 to index
        %swap3A_273 = arith.constant 16 : index
        %swap3A_274 = tpu.vector_load %arg11[%swap3A_272, %swap3A_273] {strides = array<i32>} : memref<128x128xf32, #tpu.memory_space<vmem>>, vector<1x16xf32>,
        %swap3A_275 = vector.shape_cast %swap3A_274 : vector<1x16xf32> to vector<16xf32>
        %swap3A_276 = vector.shape_cast %get3A_271 : vector<16xf32> to vector<1x16xf32>
        tpu.vector_store %arg11[%swap3A_272, %swap3A_273], %swap3A_276 {add = true, strides = array<i32>} : memref<128x128xf32, #tpu.memory_space<vmem>>, vector<1x16xf32>,
        %get3A_277 = arith.index_cast %add3A_258 : i32 to index
        %get3A_278 = arith.constant 32 : index
        %get3A_279 = tpu.vector_load %arg7[%get3A_277, %get3A_278] {strides = array<i32>} : memref<128x128xf32, #tpu.memory_space<vmem>>, vector<1x16xf32>,
        %get3A_280 = vector.shape_cast %get3A_279 : vector<1x16xf32> to vector<16xf32>
        %swap3A_281 = arith.index_cast %add3A_258 : i32 to index
        %swap3A_282 = arith.constant 32 : index
        %swap3A_283 = tpu.vector_load %arg11[%swap3A_281, %swap3A_282] {strides = array<i32>} : memref<128x128xf32, #tpu.memory_space<vmem>>, vector<1x16xf32>,
        %swap3A_284 = vector.shape_cast %swap3A_283 : vector<1x16xf32> to vector<16xf32>
        %swap3A_285 = vector.shape_cast %get3A_280 : vector<16xf32> to vector<1x16xf32>
        tpu.vector_store %arg11[%swap3A_281, %swap3A_282], %swap3A_285 {add = true, strides = array<i32>} : memref<128x128xf32, #tpu.memory_space<vmem>>, vector<1x16xf32>,
        %get3A_286 = arith.index_cast %add3A_258 : i32 to index
        %get3A_287 = arith.constant 48 : index
        %get3A_288 = tpu.vector_load %arg7[%get3A_286, %get3A_287] {strides = array<i32>} : memref<128x128xf32, #tpu.memory_space<vmem>>, vector<1x16xf32>,
        %get3A_289 = vector.shape_cast %get3A_288 : vector<1x16xf32> to vector<16xf32>
        %swap3A_290 = arith.index_cast %add3A_258 : i32 to index
        %swap3A_291 = arith.constant 48 : index
        %swap3A_292 = tpu.vector_load %arg11[%swap3A_290, %swap3A_291] {strides = array<i32>} : memref<128x128xf32, #tpu.memory_space<vmem>>, vector<1x16xf32>,
        %swap3A_293 = vector.shape_cast %swap3A_292 : vector<1x16xf32> to vector<16xf32>
        %swap3A_294 = vector.shape_cast %get3A_289 : vector<16xf32> to vector<1x16xf32>
        tpu.vector_store %arg11[%swap3A_290, %swap3A_291], %swap3A_294 {add = true, strides = array<i32>} : memref<128x128xf32, #tpu.memory_space<vmem>>, vector<1x16xf32>,
        %get3A_295 = arith.index_cast %add3A_258 : i32 to index
        %get3A_296 = arith.constant 64 : index
        %get3A_297 = tpu.vector_load %arg7[%get3A_295, %get3A_296] {strides = array<i32>} : memref<128x128xf32, #tpu.memory_space<vmem>>, vector<1x16xf32>,
        %get3A_298 = vector.shape_cast %get3A_297 : vector<1x16xf32> to vector<16xf32>
        %swap3A_299 = arith.index_cast %add3A_258 : i32 to index
        %swap3A_300 = arith.constant 64 : index
        %swap3A_301 = tpu.vector_load %arg11[%swap3A_299, %swap3A_300] {strides = array<i32>} : memref<128x128xf32, #tpu.memory_space<vmem>>, vector<1x16xf32>,
        %swap3A_302 = vector.shape_cast %swap3A_301 : vector<1x16xf32> to vector<16xf32>
        %swap3A_303 = vector.shape_cast %get3A_298 : vector<16xf32> to vector<1x16xf32>
        tpu.vector_store %arg11[%swap3A_299, %swap3A_300], %swap3A_303 {add = true, strides = array<i32>} : memref<128x128xf32, #tpu.memory_space<vmem>>, vector<1x16xf32>,
        %get3A_304 = arith.index_cast %add3A_258 : i32 to index
        %get3A_305 = arith.constant 80 : index
        %get3A_306 = tpu.vector_load %arg7[%get3A_304, %get3A_305] {strides = array<i32>} : memref<128x128xf32, #tpu.memory_space<vmem>>, vector<1x16xf32>,
        %get3A_307 = vector.shape_cast %get3A_306 : vector<1x16xf32> to vector<16xf32>
        %swap3A_308 = arith.index_cast %add3A_258 : i32 to index
        %swap3A_309 = arith.constant 80 : index
        %swap3A_310 = tpu.vector_load %arg11[%swap3A_308, %swap3A_309] {strides = array<i32>} : memref<128x128xf32, #tpu.memory_space<vmem>>, vector<1x16xf32>,
        %swap3A_311 = vector.shape_cast %swap3A_310 : vector<1x16xf32> to vector<16xf32>
        %swap3A_312 = vector.shape_cast %get3A_307 : vector<16xf32> to vector<1x16xf32>
        tpu.vector_store %arg11[%swap3A_308, %swap3A_309], %swap3A_312 {add = true, strides = array<i32>} : memref<128x128xf32, #tpu.memory_space<vmem>>, vector<1x16xf32>,
        %get3A_313 = arith.index_cast %add3A_258 : i32 to index
        %get3A_314 = arith.constant 96 : index
        %get3A_315 = tpu.vector_load %arg7[%get3A_313, %get3A_314] {strides = array<i32>} : memref<128x128xf32, #tpu.memory_space<vmem>>, vector<1x16xf32>,
        %get3A_316 = vector.shape_cast %get3A_315 : vector<1x16xf32> to vector<16xf32>
        %swap3A_317 = arith.index_cast %add3A_258 : i32 to index
        %swap3A_318 = arith.constant 96 : index
        %swap3A_319 = tpu.vector_load %arg11[%swap3A_317, %swap3A_318] {strides = array<i32>} : memref<128x128xf32, #tpu.memory_space<vmem>>, vector<1x16xf32>,
        %swap3A_320 = vector.shape_cast %swap3A_319 : vector<1x16xf32> to vector<16xf32>
        %swap3A_321 = vector.shape_cast %get3A_316 : vector<16xf32> to vector<1x16xf32>
        tpu.vector_store %arg11[%swap3A_317, %swap3A_318], %swap3A_321 {add = true, strides = array<i32>} : memref<128x128xf32, #tpu.memory_space<vmem>>, vector<1x16xf32>,
        %get3A_322 = arith.index_cast %add3A_258 : i32 to index
        %get3A_323 = arith.constant 112 : index
        %get3A_324 = tpu.vector_load %arg7[%get3A_322, %get3A_323] {strides = array<i32>} : memref<128x128xf32, #tpu.memory_space<vmem>>, vector<1x16xf32>,
        %get3A_325 = vector.shape_cast %get3A_324 : vector<1x16xf32> to vector<16xf32>
        %swap3A_326 = arith.index_cast %add3A_258 : i32 to index
        %swap3A_327 = arith.constant 112 : index
        %swap3A_328 = tpu.vector_load %arg11[%swap3A_326, %swap3A_327] {strides = array<i32>} : memref<128x128xf32, #tpu.memory_space<vmem>>, vector<1x16xf32>,
        %swap3A_329 = vector.shape_cast %swap3A_328 : vector<1x16xf32> to vector<16xf32>
        %swap3A_330 = vector.shape_cast %get3A_325 : vector<16xf32> to vector<1x16xf32>
        tpu.vector_store %arg11[%swap3A_326, %swap3A_327], %swap3A_330 {add = true, strides = array<i32>} : memref<128x128xf32, #tpu.memory_space<vmem>>, vector<1x16xf32>,
        %mul3A_331 = arith.constant 4 : i32
        %mul3A_332 = arith.muli %scan3A_180, %mul3A_331 : i32
        %add3A_333 = arith.constant 2 : i32
        %add3A_334 = arith.addi %mul3A_332, %add3A_333 : i32
        %get3A_335 = arith.index_cast %add3A_334 : i32 to index
        %get3A_336 = arith.constant 0 : index
        %get3A_337 = tpu.vector_load %arg7[%get3A_335, %get3A_336] {strides = array<i32>} : memref<128x128xf32, #tpu.memory_space<vmem>>, vector<1x16xf32>,
        %get3A_338 = vector.shape_cast %get3A_337 : vector<1x16xf32> to vector<16xf32>
        %swap3A_339 = arith.index_cast %add3A_334 : i32 to index
        %swap3A_340 = arith.constant 0 : index
        %swap3A_341 = tpu.vector_load %arg11[%swap3A_339, %swap3A_340] {strides = array<i32>} : memref<128x128xf32, #tpu.memory_space<vmem>>, vector<1x16xf32>,
        %swap3A_342 = vector.shape_cast %swap3A_341 : vector<1x16xf32> to vector<16xf32>
        %swap3A_343 = vector.shape_cast %get3A_338 : vector<16xf32> to vector<1x16xf32>
        tpu.vector_store %arg11[%swap3A_339, %swap3A_340], %swap3A_343 {add = true, strides = array<i32>} : memref<128x128xf32, #tpu.memory_space<vmem>>, vector<1x16xf32>,
        %get3A_344 = arith.index_cast %add3A_334 : i32 to index
        %get3A_345 = arith.constant 16 : index
        %get3A_346 = tpu.vector_load %arg7[%get3A_344, %get3A_345] {strides = array<i32>} : memref<128x128xf32, #tpu.memory_space<vmem>>, vector<1x16xf32>,
        %get3A_347 = vector.shape_cast %get3A_346 : vector<1x16xf32> to vector<16xf32>
        %swap3A_348 = arith.index_cast %add3A_334 : i32 to index
        %swap3A_349 = arith.constant 16 : index
        %swap3A_350 = tpu.vector_load %arg11[%swap3A_348, %swap3A_349] {strides = array<i32>} : memref<128x128xf32, #tpu.memory_space<vmem>>, vector<1x16xf32>,
        %swap3A_351 = vector.shape_cast %swap3A_350 : vector<1x16xf32> to vector<16xf32>
        %swap3A_352 = vector.shape_cast %get3A_347 : vector<16xf32> to vector<1x16xf32>
        tpu.vector_store %arg11[%swap3A_348, %swap3A_349], %swap3A_352 {add = true, strides = array<i32>} : memref<128x128xf32, #tpu.memory_space<vmem>>, vector<1x16xf32>,
        %get3A_353 = arith.index_cast %add3A_334 : i32 to index
        %get3A_354 = arith.constant 32 : index
        %get3A_355 = tpu.vector_load %arg7[%get3A_353, %get3A_354] {strides = array<i32>} : memref<128x128xf32, #tpu.memory_space<vmem>>, vector<1x16xf32>,
        %get3A_356 = vector.shape_cast %get3A_355 : vector<1x16xf32> to vector<16xf32>
        %swap3A_357 = arith.index_cast %add3A_334 : i32 to index
        %swap3A_358 = arith.constant 32 : index
        %swap3A_359 = tpu.vector_load %arg11[%swap3A_357, %swap3A_358] {strides = array<i32>} : memref<128x128xf32, #tpu.memory_space<vmem>>, vector<1x16xf32>,
        %swap3A_360 = vector.shape_cast %swap3A_359 : vector<1x16xf32> to vector<16xf32>
        %swap3A_361 = vector.shape_cast %get3A_356 : vector<16xf32> to vector<1x16xf32>
        tpu.vector_store %arg11[%swap3A_357, %swap3A_358], %swap3A_361 {add = true, strides = array<i32>} : memref<128x128xf32, #tpu.memory_space<vmem>>, vector<1x16xf32>,
        %get3A_362 = arith.index_cast %add3A_334 : i32 to index
        %get3A_363 = arith.constant 48 : index
        %get3A_364 = tpu.vector_load %arg7[%get3A_362, %get3A_363] {strides = array<i32>} : memref<128x128xf32, #tpu.memory_space<vmem>>, vector<1x16xf32>,
        %get3A_365 = vector.shape_cast %get3A_364 : vector<1x16xf32> to vector<16xf32>
        %swap3A_366 = arith.index_cast %add3A_334 : i32 to index
        %swap3A_367 = arith.constant 48 : index
        %swap3A_368 = tpu.vector_load %arg11[%swap3A_366, %swap3A_367] {strides = array<i32>} : memref<128x128xf32, #tpu.memory_space<vmem>>, vector<1x16xf32>,
        %swap3A_369 = vector.shape_cast %swap3A_368 : vector<1x16xf32> to vector<16xf32>
        %swap3A_370 = vector.shape_cast %get3A_365 : vector<16xf32> to vector<1x16xf32>
        tpu.vector_store %arg11[%swap3A_366, %swap3A_367], %swap3A_370 {add = true, strides = array<i32>} : memref<128x128xf32, #tpu.memory_space<vmem>>, vector<1x16xf32>,
        %get3A_371 = arith.index_cast %add3A_334 : i32 to index
        %get3A_372 = arith.constant 64 : index
        %get3A_373 = tpu.vector_load %arg7[%get3A_371, %get3A_372] {strides = array<i32>} : memref<128x128xf32, #tpu.memory_space<vmem>>, vector<1x16xf32>,
        %get3A_374 = vector.shape_cast %get3A_373 : vector<1x16xf32> to vector<16xf32>
        %swap3A_375 = arith.index_cast %add3A_334 : i32 to index
        %swap3A_376 = arith.constant 64 : index
        %swap3A_377 = tpu.vector_load %arg11[%swap3A_375, %swap3A_376] {strides = array<i32>} : memref<128x128xf32, #tpu.memory_space<vmem>>, vector<1x16xf32>,
        %swap3A_378 = vector.shape_cast %swap3A_377 : vector<1x16xf32> to vector<16xf32>
        %swap3A_379 = vector.shape_cast %get3A_374 : vector<16xf32> to vector<1x16xf32>
        tpu.vector_store %arg11[%swap3A_375, %swap3A_376], %swap3A_379 {add = true, strides = array<i32>} : memref<128x128xf32, #tpu.memory_space<vmem>>, vector<1x16xf32>,
        %get3A_380 = arith.index_cast %add3A_334 : i32 to index
        %get3A_381 = arith.constant 80 : index
        %get3A_382 = tpu.vector_load %arg7[%get3A_380, %get3A_381] {strides = array<i32>} : memref<128x128xf32, #tpu.memory_space<vmem>>, vector<1x16xf32>,
        %get3A_383 = vector.shape_cast %get3A_382 : vector<1x16xf32> to vector<16xf32>
        %swap3A_384 = arith.index_cast %add3A_334 : i32 to index
        %swap3A_385 = arith.constant 80 : index
        %swap3A_386 = tpu.vector_load %arg11[%swap3A_384, %swap3A_385] {strides = array<i32>} : memref<128x128xf32, #tpu.memory_space<vmem>>, vector<1x16xf32>,
        %swap3A_387 = vector.shape_cast %swap3A_386 : vector<1x16xf32> to vector<16xf32>
        %swap3A_388 = vector.shape_cast %get3A_383 : vector<16xf32> to vector<1x16xf32>
        tpu.vector_store %arg11[%swap3A_384, %swap3A_385], %swap3A_388 {add = true, strides = array<i32>} : memref<128x128xf32, #tpu.memory_space<vmem>>, vector<1x16xf32>,
        %get3A_389 = arith.index_cast %add3A_334 : i32 to index
        %get3A_390 = arith.constant 96 : index
        %get3A_391 = tpu.vector_load %arg7[%get3A_389, %get3A_390] {strides = array<i32>} : memref<128x128xf32, #tpu.memory_space<vmem>>, vector<1x16xf32>,
        %get3A_392 = vector.shape_cast %get3A_391 : vector<1x16xf32> to vector<16xf32>
        %swap3A_393 = arith.index_cast %add3A_334 : i32 to index
        %swap3A_394 = arith.constant 96 : index
        %swap3A_395 = tpu.vector_load %arg11[%swap3A_393, %swap3A_394] {strides = array<i32>} : memref<128x128xf32, #tpu.memory_space<vmem>>, vector<1x16xf32>,
        %swap3A_396 = vector.shape_cast %swap3A_395 : vector<1x16xf32> to vector<16xf32>
        %swap3A_397 = vector.shape_cast %get3A_392 : vector<16xf32> to vector<1x16xf32>
        tpu.vector_store %arg11[%swap3A_393, %swap3A_394], %swap3A_397 {add = true, strides = array<i32>} : memref<128x128xf32, #tpu.memory_space<vmem>>, vector<1x16xf32>,
        %get3A_398 = arith.index_cast %add3A_334 : i32 to index
        %get3A_399 = arith.constant 112 : index
        %get3A_400 = tpu.vector_load %arg7[%get3A_398, %get3A_399] {strides = array<i32>} : memref<128x128xf32, #tpu.memory_space<vmem>>, vector<1x16xf32>,
        %get3A_401 = vector.shape_cast %get3A_400 : vector<1x16xf32> to vector<16xf32>
        %swap3A_402 = arith.index_cast %add3A_334 : i32 to index
        %swap3A_403 = arith.constant 112 : index
        %swap3A_404 = tpu.vector_load %arg11[%swap3A_402, %swap3A_403] {strides = array<i32>} : memref<128x128xf32, #tpu.memory_space<vmem>>, vector<1x16xf32>,
        %swap3A_405 = vector.shape_cast %swap3A_404 : vector<1x16xf32> to vector<16xf32>
        %swap3A_406 = vector.shape_cast %get3A_401 : vector<16xf32> to vector<1x16xf32>
        tpu.vector_store %arg11[%swap3A_402, %swap3A_403], %swap3A_406 {add = true, strides = array<i32>} : memref<128x128xf32, #tpu.memory_space<vmem>>, vector<1x16xf32>,
        %mul3A_407 = arith.constant 4 : i32
        %mul3A_408 = arith.muli %scan3A_180, %mul3A_407 : i32
        %add3A_409 = arith.constant 3 : i32
        %add3A_410 = arith.addi %mul3A_408, %add3A_409 : i32
        %get3A_411 = arith.index_cast %add3A_410 : i32 to index
        %get3A_412 = arith.constant 0 : index
        %get3A_413 = tpu.vector_load %arg7[%get3A_411, %get3A_412] {strides = array<i32>} : memref<128x128xf32, #tpu.memory_space<vmem>>, vector<1x16xf32>,
        %get3A_414 = vector.shape_cast %get3A_413 : vector<1x16xf32> to vector<16xf32>
        %swap3A_415 = arith.index_cast %add3A_410 : i32 to index
        %swap3A_416 = arith.constant 0 : index
        %swap3A_417 = tpu.vector_load %arg11[%swap3A_415, %swap3A_416] {strides = array<i32>} : memref<128x128xf32, #tpu.memory_space<vmem>>, vector<1x16xf32>,
        %swap3A_418 = vector.shape_cast %swap3A_417 : vector<1x16xf32> to vector<16xf32>
        %swap3A_419 = vector.shape_cast %get3A_414 : vector<16xf32> to vector<1x16xf32>
        tpu.vector_store %arg11[%swap3A_415, %swap3A_416], %swap3A_419 {add = true, strides = array<i32>} : memref<128x128xf32, #tpu.memory_space<vmem>>, vector<1x16xf32>,
        %get3A_420 = arith.index_cast %add3A_410 : i32 to index
        %get3A_421 = arith.constant 16 : index
        %get3A_422 = tpu.vector_load %arg7[%get3A_420, %get3A_421] {strides = array<i32>} : memref<128x128xf32, #tpu.memory_space<vmem>>, vector<1x16xf32>,
        %get3A_423 = vector.shape_cast %get3A_422 : vector<1x16xf32> to vector<16xf32>
        %swap3A_424 = arith.index_cast %add3A_410 : i32 to index
        %swap3A_425 = arith.constant 16 : index
        %swap3A_426 = tpu.vector_load %arg11[%swap3A_424, %swap3A_425] {strides = array<i32>} : memref<128x128xf32, #tpu.memory_space<vmem>>, vector<1x16xf32>,
        %swap3A_427 = vector.shape_cast %swap3A_426 : vector<1x16xf32> to vector<16xf32>
        %swap3A_428 = vector.shape_cast %get3A_423 : vector<16xf32> to vector<1x16xf32>
        tpu.vector_store %arg11[%swap3A_424, %swap3A_425], %swap3A_428 {add = true, strides = array<i32>} : memref<128x128xf32, #tpu.memory_space<vmem>>, vector<1x16xf32>,
        %get3A_429 = arith.index_cast %add3A_410 : i32 to index
        %get3A_430 = arith.constant 32 : index
        %get3A_431 = tpu.vector_load %arg7[%get3A_429, %get3A_430] {strides = array<i32>} : memref<128x128xf32, #tpu.memory_space<vmem>>, vector<1x16xf32>,
        %get3A_432 = vector.shape_cast %get3A_431 : vector<1x16xf32> to vector<16xf32>
        %swap3A_433 = arith.index_cast %add3A_410 : i32 to index
        %swap3A_434 = arith.constant 32 : index
        %swap3A_435 = tpu.vector_load %arg11[%swap3A_433, %swap3A_434] {strides = array<i32>} : memref<128x128xf32, #tpu.memory_space<vmem>>, vector<1x16xf32>,
        %swap3A_436 = vector.shape_cast %swap3A_435 : vector<1x16xf32> to vector<16xf32>
        %swap3A_437 = vector.shape_cast %get3A_432 : vector<16xf32> to vector<1x16xf32>
        tpu.vector_store %arg11[%swap3A_433, %swap3A_434], %swap3A_437 {add = true, strides = array<i32>} : memref<128x128xf32, #tpu.memory_space<vmem>>, vector<1x16xf32>,
        %get3A_438 = arith.index_cast %add3A_410 : i32 to index
        %get3A_439 = arith.constant 48 : index
        %get3A_440 = tpu.vector_load %arg7[%get3A_438, %get3A_439] {strides = array<i32>} : memref<128x128xf32, #tpu.memory_space<vmem>>, vector<1x16xf32>,
        %get3A_441 = vector.shape_cast %get3A_440 : vector<1x16xf32> to vector<16xf32>
        %swap3A_442 = arith.index_cast %add3A_410 : i32 to index
        %swap3A_443 = arith.constant 48 : index
        %swap3A_444 = tpu.vector_load %arg11[%swap3A_442, %swap3A_443] {strides = array<i32>} : memref<128x128xf32, #tpu.memory_space<vmem>>, vector<1x16xf32>,
        %swap3A_445 = vector.shape_cast %swap3A_444 : vector<1x16xf32> to vector<16xf32>
        %swap3A_446 = vector.shape_cast %get3A_441 : vector<16xf32> to vector<1x16xf32>
        tpu.vector_store %arg11[%swap3A_442, %swap3A_443], %swap3A_446 {add = true, strides = array<i32>} : memref<128x128xf32, #tpu.memory_space<vmem>>, vector<1x16xf32>,
        %get3A_447 = arith.index_cast %add3A_410 : i32 to index
        %get3A_448 = arith.constant 64 : index
        %get3A_449 = tpu.vector_load %arg7[%get3A_447, %get3A_448] {strides = array<i32>} : memref<128x128xf32, #tpu.memory_space<vmem>>, vector<1x16xf32>,
        %get3A_450 = vector.shape_cast %get3A_449 : vector<1x16xf32> to vector<16xf32>
        %swap3A_451 = arith.index_cast %add3A_410 : i32 to index
        %swap3A_452 = arith.constant 64 : index
        %swap3A_453 = tpu.vector_load %arg11[%swap3A_451, %swap3A_452] {strides = array<i32>} : memref<128x128xf32, #tpu.memory_space<vmem>>, vector<1x16xf32>,
        %swap3A_454 = vector.shape_cast %swap3A_453 : vector<1x16xf32> to vector<16xf32>
        %swap3A_455 = vector.shape_cast %get3A_450 : vector<16xf32> to vector<1x16xf32>
        tpu.vector_store %arg11[%swap3A_451, %swap3A_452], %swap3A_455 {add = true, strides = array<i32>} : memref<128x128xf32, #tpu.memory_space<vmem>>, vector<1x16xf32>,
        %get3A_456 = arith.index_cast %add3A_410 : i32 to index
        %get3A_457 = arith.constant 80 : index
        %get3A_458 = tpu.vector_load %arg7[%get3A_456, %get3A_457] {strides = array<i32>} : memref<128x128xf32, #tpu.memory_space<vmem>>, vector<1x16xf32>,
        %get3A_459 = vector.shape_cast %get3A_458 : vector<1x16xf32> to vector<16xf32>
        %swap3A_460 = arith.index_cast %add3A_410 : i32 to index
        %swap3A_461 = arith.constant 80 : index
        %swap3A_462 = tpu.vector_load %arg11[%swap3A_460, %swap3A_461] {strides = array<i32>} : memref<128x128xf32, #tpu.memory_space<vmem>>, vector<1x16xf32>,
        %swap3A_463 = vector.shape_cast %swap3A_462 : vector<1x16xf32> to vector<16xf32>
        %swap3A_464 = vector.shape_cast %get3A_459 : vector<16xf32> to vector<1x16xf32>
        tpu.vector_store %arg11[%swap3A_460, %swap3A_461], %swap3A_464 {add = true, strides = array<i32>} : memref<128x128xf32, #tpu.memory_space<vmem>>, vector<1x16xf32>,
        %get3A_465 = arith.index_cast %add3A_410 : i32 to index
        %get3A_466 = arith.constant 96 : index
        %get3A_467 = tpu.vector_load %arg7[%get3A_465, %get3A_466] {strides = array<i32>} : memref<128x128xf32, #tpu.memory_space<vmem>>, vector<1x16xf32>,
        %get3A_468 = vector.shape_cast %get3A_467 : vector<1x16xf32> to vector<16xf32>
        %swap3A_469 = arith.index_cast %add3A_410 : i32 to index
        %swap3A_470 = arith.constant 96 : index
        %swap3A_471 = tpu.vector_load %arg11[%swap3A_469, %swap3A_470] {strides = array<i32>} : memref<128x128xf32, #tpu.memory_space<vmem>>, vector<1x16xf32>,
        %swap3A_472 = vector.shape_cast %swap3A_471 : vector<1x16xf32> to vector<16xf32>
        %swap3A_473 = vector.shape_cast %get3A_468 : vector<16xf32> to vector<1x16xf32>
        tpu.vector_store %arg11[%swap3A_469, %swap3A_470], %swap3A_473 {add = true, strides = array<i32>} : memref<128x128xf32, #tpu.memory_space<vmem>>, vector<1x16xf32>,
        %get3A_474 = arith.index_cast %add3A_410 : i32 to index
        %get3A_475 = arith.constant 112 : index
        %get3A_476 = tpu.vector_load %arg7[%get3A_474, %get3A_475] {strides = array<i32>} : memref<128x128xf32, #tpu.memory_space<vmem>>, vector<1x16xf32>,
        %get3A_477 = vector.shape_cast %get3A_476 : vector<1x16xf32> to vector<16xf32>
        %swap3A_478 = arith.index_cast %add3A_410 : i32 to index
        %swap3A_479 = arith.constant 112 : index
        %swap3A_480 = tpu.vector_load %arg11[%swap3A_478, %swap3A_479] {strides = array<i32>} : memref<128x128xf32, #tpu.memory_space<vmem>>, vector<1x16xf32>,
        %swap3A_481 = vector.shape_cast %swap3A_480 : vector<1x16xf32> to vector<16xf32>
        %swap3A_482 = vector.shape_cast %get3A_477 : vector<16xf32> to vector<1x16xf32>
        tpu.vector_store %arg11[%swap3A_478, %swap3A_479], %swap3A_482 {add = true, strides = array<i32>} : memref<128x128xf32, #tpu.memory_space<vmem>>, vector<1x16xf32>,
      }
      %scan3A_172 = arith.constant 32 : i32
      %add3A_173 = arith.addi %mul3A_0, %add3A_155 : i32
      %dma_start3A_174 = arith.constant 0 : i32
      %dma_start3A_175 = tpu.memref_slice %arg5[%add3A_173, %mul3A_2, %dma_start3A_174] : memref<32x2048x128xf32, #tpu.memory_space<hbm>> -> memref<1x128x128xf32, #tpu.memory_space<hbm>>
      %dma_start3A_176 = tpu.memref_squeeze %dma_start3A_175 : memref<1x128x128xf32, #tpu.memory_space<hbm>> -> memref<128x128xf32, #tpu.memory_space<hbm>>
      %dma_start3A_177 = arith.constant 0 : i32
      %dma_start3A_178 = tpu.memref_slice %arg5[%add3A_173, %mul3A_2, %dma_start3A_177] : memref<32x2048x128xf32, #tpu.memory_space<hbm>> -> memref<1x128x128xf32, #tpu.memory_space<hbm>>
      %dma_start3A_179 = tpu.memref_squeeze %dma_start3A_178 : memref<1x128x128xf32, #tpu.memory_space<hbm>> -> memref<128x128xf32, #tpu.memory_space<hbm>>
      tpu.enqueue_dma source(%arg11 : memref<128x128xf32, #tpu.memory_space<vmem>>) target(%dma_start3A_179 : memref<128x128xf32, #tpu.memory_space<hbm>>) target_semaphore(%arg19 : memref<!tpu.dma_semaphore, #tpu.memory_space<semaphore_mem>>)
    }
    %scan3A_20 = arith.constant 4 : i32
    %dma_wait3A = arith.constant 0 : i32
    %dma_wait3A_21 = arith.constant 0 : i32
    %dma_wait3A_22 = arith.constant 0 : i32
    %dma_wait3A_23 = tpu.memref_slice %arg5[%dma_wait3A, %dma_wait3A_21, %dma_wait3A_22] : memref<32x2048x128xf32, #tpu.memory_space<hbm>> -> memref<1x128x128xf32, #tpu.memory_space<hbm>>
    %dma_wait3A_24 = tpu.memref_squeeze %dma_wait3A_23 : memref<1x128x128xf32, #tpu.memory_space<hbm>> -> memref<128x128xf32, #tpu.memory_space<hbm>>
    %dma_wait3A_25 = arith.constant 0 : i32
    %dma_wait3A_26 = arith.constant 0 : i32
    %dma_wait3A_27 = tpu.memref_slice %arg5[%dma_wait3A, %dma_wait3A_25, %dma_wait3A_26] : memref<32x2048x128xf32, #tpu.memory_space<hbm>> -> memref<1x128x128xf32, #tpu.memory_space<hbm>>
    %dma_wait3A_28 = tpu.memref_squeeze %dma_wait3A_27 : memref<1x128x128xf32, #tpu.memory_space<hbm>> -> memref<128x128xf32, #tpu.memory_space<hbm>>
    tpu.wait_dma2 semaphore(%arg16 : memref<!tpu.dma_semaphore, #tpu.memory_space<semaphore_mem>>) src(%arg8 : memref<128x128xf32, #tpu.memory_space<vmem>>) dst(%dma_wait3A_28 : memref<128x128xf32, #tpu.memory_space<hbm>>)
    %dma_wait3A_29 = arith.constant 0 : i32
    %dma_wait3A_30 = arith.constant 0 : i32
    %dma_wait3A_31 = arith.constant 0 : i32
    %dma_wait3A_32 = tpu.memref_slice %arg5[%dma_wait3A_29, %dma_wait3A_30, %dma_wait3A_31] : memref<32x2048x128xf32, #tpu.memory_space<hbm>> -> memref<1x128x128xf32, #tpu.memory_space<hbm>>
    %dma_wait3A_33 = tpu.memref_squeeze %dma_wait3A_32 : memref<1x128x128xf32, #tpu.memory_space<hbm>> -> memref<128x128xf32, #tpu.memory_space<hbm>>
    %dma_wait3A_34 = arith.constant 0 : i32
    %dma_wait3A_35 = arith.constant 0 : i32
    %dma_wait3A_36 = tpu.memref_slice %arg5[%dma_wait3A_29, %dma_wait3A_34, %dma_wait3A_35] : memref<32x2048x128xf32, #tpu.memory_space<hbm>> -> memref<1x128x128xf32, #tpu.memory_space<hbm>>
    %dma_wait3A_37 = tpu.memref_squeeze %dma_wait3A_36 : memref<1x128x128xf32, #tpu.memory_space<hbm>> -> memref<128x128xf32, #tpu.memory_space<hbm>>
    tpu.wait_dma2 semaphore(%arg17 : memref<!tpu.dma_semaphore, #tpu.memory_space<semaphore_mem>>) src(%arg9 : memref<128x128xf32, #tpu.memory_space<vmem>>) dst(%dma_wait3A_37 : memref<128x128xf32, #tpu.memory_space<hbm>>)
    %dma_wait3A_38 = arith.constant 0 : i32
    %dma_wait3A_39 = arith.constant 0 : i32
    %dma_wait3A_40 = arith.constant 0 : i32
    %dma_wait3A_41 = tpu.memref_slice %arg5[%dma_wait3A_38, %dma_wait3A_39, %dma_wait3A_40] : memref<32x2048x128xf32, #tpu.memory_space<hbm>> -> memref<1x128x128xf32, #tpu.memory_space<hbm>>
    %dma_wait3A_42 = tpu.memref_squeeze %dma_wait3A_41 : memref<1x128x128xf32, #tpu.memory_space<hbm>> -> memref<128x128xf32, #tpu.memory_space<hbm>>
    %dma_wait3A_43 = arith.constant 0 : i32
    %dma_wait3A_44 = arith.constant 0 : i32
    %dma_wait3A_45 = tpu.memref_slice %arg5[%dma_wait3A_38, %dma_wait3A_43, %dma_wait3A_44] : memref<32x2048x128xf32, #tpu.memory_space<hbm>> -> memref<1x128x128xf32, #tpu.memory_space<hbm>>
    %dma_wait3A_46 = tpu.memref_squeeze %dma_wait3A_45 : memref<1x128x128xf32, #tpu.memory_space<hbm>> -> memref<128x128xf32, #tpu.memory_space<hbm>>
    tpu.wait_dma2 semaphore(%arg18 : memref<!tpu.dma_semaphore, #tpu.memory_space<semaphore_mem>>) src(%arg10 : memref<128x128xf32, #tpu.memory_space<vmem>>) dst(%dma_wait3A_46 : memref<128x128xf32, #tpu.memory_space<hbm>>)
    %dma_wait3A_47 = arith.constant 0 : i32
    %dma_wait3A_48 = arith.constant 0 : i32
    %dma_wait3A_49 = arith.constant 0 : i32
    %dma_wait3A_50 = tpu.memref_slice %arg5[%dma_wait3A_47, %dma_wait3A_48, %dma_wait3A_49] : memref<32x2048x128xf32, #tpu.memory_space<hbm>> -> memref<1x128x128xf32, #tpu.memory_space<hbm>>
    %dma_wait3A_51 = tpu.memref_squeeze %dma_wait3A_50 : memref<1x128x128xf32, #tpu.memory_space<hbm>> -> memref<128x128xf32, #tpu.memory_space<hbm>>
    %dma_wait3A_52 = arith.constant 0 : i32
    %dma_wait3A_53 = arith.constant 0 : i32
    %dma_wait3A_54 = tpu.memref_slice %arg5[%dma_wait3A_47, %dma_wait3A_52, %dma_wait3A_53] : memref<32x2048x128xf32, #tpu.memory_space<hbm>> -> memref<1x128x128xf32, #tpu.memory_space<hbm>>
    %dma_wait3A_55 = tpu.memref_squeeze %dma_wait3A_54 : memref<1x128x128xf32, #tpu.memory_space<hbm>> -> memref<128x128xf32, #tpu.memory_space<hbm>>
    tpu.wait_dma2 semaphore(%arg19 : memref<!tpu.dma_semaphore, #tpu.memory_space<semaphore_mem>>) src(%arg11 : memref<128x128xf32, #tpu.memory_space<vmem>>) dst(%dma_wait3A_55 : memref<128x128xf32, #tpu.memory_space<hbm>>)
    return
  }
}

</mosaic_0001>

<sc_bundles>
// kernel: kernel.3.cloned.1.call-start
scs
__scs_entry_jumppad:
0x0: {  	(pc) =	sbr.rel $0x88, $3  }
0x1: {  	(tag) =	ssettag $0x0;
	lr =	simm.s32 $0x1  }
0x2: {  	[smem:$0x3F9E] =	sst lr;
	_ =	strace $0xD0000000  }
0x3: {  	_ = 	snop  }
0x4: {  	_ = 	snop  }
0x5: {  	_ = 	snop  }
0x6: {  	_ = 	snop  }
0x7: {  	_ = 	snop  }
__scs_overlays_trampoline_lowered:
0x8: {  	[smem:$0x3FAD] =	sst s0  }
0x9: {  	[smem:$0x3FAE] =	sst s1  }
0xa: {  	[smem:$0x3FAF] =	sst s2  }
0xb: {  	[smem:$0x3FB0] =	sst s3  }
0xc: {  	[smem:$0x3FB1] =	sst s4  }
0xd: {  	[smem:$0x3FB2] =	sst s5  }
0xe: {  	[smem:$0x3FB3] =	sst s6  }
0xf: {  	[smem:$0x3FB4] =	sst s7  }
0x10: {  	[smem:$0x3FB5] =	sst s8  }
0x11: {  	[smem:$0x3FB6] =	sst s9;
	s0 =	simm.s32 @!p0 $0x0  }
0x12: {  	s1 =	sld [smem:$0x3F9C];
	s0 =	simm.s32 @p0 $0x1  }
0x13: {  	[smem:$0x3FB7] =	sst s0;
	s0 =	simm.s32 @!p1 $0x0  }
0x14: {  	s2 =	sld [smem:$0x3F9B];
	s0 =	simm.s32 @p1 $0x1  }
0x15: {  	[smem:$0x3FB8] =	sst s0;
	s0 =	simm.s32 @!p2 $0x0  }
0x16: {  	s3 =	sld [smem:$0x3FDB];
	s0 =	simm.s32 @p2 $0x1  }
0x17: {  	s4 =	simm.s32 $0x1BF5;
	[smem:$0x3FBA] =	sst s0  }
0x18: {  	s0 =	sld [smem:$0x3F9D];
	_ =	swait.ge [sflag:s4], $0x0  }
0x19: {  	s7 =	sld [smem:$0x3F9E]  }
0x1a: {  	s8 =	sadd.s32 $0xFFFFE003, lr  }
0x1b: {  	s9 =	sadd.s32 $0xFFFFFEF7, lr;
	s5 =	simm.s32 $0xFFFFFFFF;
	p2 =	slt.u32 s8, $0xFFFFF086  }
0x1c: {  	p1 =	slt.u32 s9, $0xF7A;
	s5 =	simm.s32 @!p2 $0x0  }
0x1d: {  	s5 =	simm.s32 @p1 $0x1;
	p0 =	seq.s32 s7, s2  }
0x1e: {  	s7 =	smul.u32 @!p0 $0xF7A, s2;
	p2 =	seq.s32 @!p0 s5, $0x0  }
0x1f: {  	s9 =	smul.u32 $0xF7A, s1;
	s8 =	simm.s32 @!p0 $0x1BF5;
	p2 =	por !p2, p0  }
0x20: {  	[sflag:s8] =	ssyncset.s32 @!p0 $0xFFFFF086;
	s6 =	sadd.s32 @!p0 s3, s7;
	s7 =	simm.s32 @!p0 $0x108  }
0x21: {  	s3 =	sadd.s32 s3, s9;
	s6 =	sadd.s32 @!p0 $0x88, s6;
	s7 =	simm.s32 @p2 $0x1082  }
0x22: {  	[simem:s7], [sflag:s8] =	dma.local @!p0 [hbm:s6], $0xF7A  }
0x23: {  	s9 =	sor.u32 $0xD0000000, s2;
	s6 =	simm.s32 $0x108;
	_ =	swait.ge @!p0 [sflag:s8], $0x0  }
0x24: {  	s3 =	sadd.s32 $0x88, s3;
	s6 =	simm.s32 @!p1 $0x1082;
	[sflag:s4] =	ssyncset.s32 $0xFFFFF086  }
0x25: {  	[simem:s6], [sflag:s4] =	dma.local [hbm:s3], $0xF7A  }
0x26: {  	[smem:$0x3F9E] =	sst s1;
	(tag) =	ssettag s2;
	_ =	strace s9  }
0x27: {  	s1 =	sld [smem:$0x3FAE]  }
0x28: {  	s2 =	sld [smem:$0x3FAF]  }
0x29: {  	s4 =	sld [smem:$0x3FB1]  }
0x2a: {  	p0 =	seq.s32 s5, $0x0;
	s5 =	sld [smem:$0x3FB2]  }
0x2b: {  	s6 =	sld [smem:$0x3FB3]  }
0x2c: {  	s7 =	sld [smem:$0x3FB4]  }
0x2d: {  	s3 =	simm.s32 $0x108;
	s8 =	sld [smem:$0x3FB5]  }
0x2e: {  	s3 =	simm.s32 @!p0 $0x1082;
	s9 =	sld [smem:$0x3FB6]  }
0x2f: {  	lr =	sadd.s32 s0, s3;
	s0 =	sld [smem:$0x3FAD]  }
0x30: {  	s3 =	sld [smem:$0x3FB0]  }
0x31: {  	[smem:$0x3FB9] =	sst s10  }
0x32: {  	s10 =	sld [smem:$0x3FB7];
	_ =	sdelay $0x3  }
0x33: {  	p0 =	seq.s32 s10, $0x1;
	s10 =	sld [smem:$0x3FB9];
	_ =	sdelay $0x3  }
0x34: {  	[smem:$0x3FB9] =	sst s10  }
0x35: {  	s10 =	sld [smem:$0x3FB8];
	_ =	sdelay $0x3  }
0x36: {  	p1 =	seq.s32 s10, $0x1;
	s10 =	sld [smem:$0x3FB9];
	_ =	sdelay $0x3  }
0x37: {  	[smem:$0x3FB9] =	sst s10  }
0x38: {  	s10 =	sld [smem:$0x3FBA]  }
0x39: {  	_ = 	snop;
	(pc) =	sbr.ind lr, $3  }
0x3a: {  	_ = 	snop  }
0x3b: {  	_ = 	snop  }
0x3c: {  	p2 =	seq.s32 s10, $0x1;
	s10 =	sld [smem:$0x3FB9]  }
0x3d: {  	_ =	shalt  }
0x3e: {  	_ =	shalt  }
0x3f: {  	_ =	shalt  }
0x40: {  	_ =	shalt  }
0x41: {  	_ =	shalt  }
0x42: {  	_ =	shalt  }
0x43: {  	_ =	shalt  }
0x44: {  	_ =	shalt  }
0x45: {  	_ =	shalt  }
0x46: {  	_ =	shalt  }
0x47: {  	_ =	shalt  }
0x48: {  	_ =	shalt  }
0x49: {  	_ =	shalt  }
0x4a: {  	_ =	shalt  }
0x4b: {  	_ =	shalt  }
0x4c: {  	_ =	shalt  }
0x4d: {  	_ =	shalt  }
0x4e: {  	_ =	shalt  }
0x4f: {  	_ =	shalt  }
0x50: {  	_ =	shalt  }
0x51: {  	_ =	shalt  }
0x52: {  	_ =	shalt  }
0x53: {  	_ =	shalt  }
0x54: {  	_ =	shalt  }
0x55: {  	_ =	shalt  }
0x56: {  	_ =	shalt  }
0x57: {  	_ =	shalt  }
0x58: {  	_ =	shalt  }
0x59: {  	_ =	shalt  }
0x5a: {  	_ =	shalt  }
0x5b: {  	_ =	shalt  }
0x5c: {  	_ =	shalt  }
0x5d: {  	_ =	shalt  }
0x5e: {  	_ =	shalt  }
0x5f: {  	_ =	shalt  }
0x60: {  	_ =	shalt  }
0x61: {  	_ =	shalt  }
0x62: {  	_ =	shalt  }
0x63: {  	_ =	shalt  }
0x64: {  	_ =	shalt  }
0x65: {  	_ =	shalt  }
0x66: {  	_ =	shalt  }
0x67: {  	_ =	shalt  }
0x68: {  	_ =	shalt  }
0x69: {  	_ =	shalt  }
0x6a: {  	_ =	shalt  }
0x6b: {  	_ =	shalt  }
0x6c: {  	_ =	shalt  }
0x6d: {  	_ =	shalt  }
0x6e: {  	_ =	shalt  }
0x6f: {  	_ =	shalt  }
0x70: {  	_ =	shalt  }
0x71: {  	_ =	shalt  }
0x72: {  	_ =	shalt  }
0x73: {  	_ =	shalt  }
0x74: {  	_ =	shalt  }
0x75: {  	_ =	shalt  }
0x76: {  	_ =	shalt  }
0x77: {  	_ =	shalt  }
0x78: {  	_ =	shalt  }
0x79: {  	_ =	shalt  }
0x7a: {  	_ =	shalt  }
0x7b: {  	_ =	shalt  }
0x7c: {  	_ =	shalt  }
0x7d: {  	_ =	shalt  }
0x7e: {  	_ =	shalt  }
0x7f: {  	_ =	shalt  }
0x80: {  	_ =	shalt  }
0x81: {  	_ =	shalt  }
0x82: {  	_ =	shalt  }
0x83: {  	_ =	shalt  }
0x84: {  	_ =	shalt  }
0x85: {  	_ =	shalt  }
0x86: {  	_ =	shalt  }
0x87: {  	_ =	shalt  }
.Lfunc_end0:
.L_simem_size_0:
called_computation_lowered:
.L_overlay_start_0:
0x88: {  	s2 =	sld [smem:$0x3FD9]  }
0x89: {  	s3 =	sld [smem:$0x3FFE];
	_ =	sdelay $0x1  }
0x8a: {  	s1 =	srdreg.scid  }
0x8b: {  	s0 =	sand.u32 $0x1, s1  }
0x8c: {  	s18 =	sshll.u32 s0, $0xA;
	s2 =	sadd.s32 s3, s2  }
0x8d: {  	s2 =	sadd.s32 s2, s18  }
0x8e: {  	[smem:$0x3FC5] =	sst s2  }
0x8f: {  	_ = 	snop  }
0x90: {  	s2 =	sld [smem:$0x3FC9]  }
0x91: {  	s19 =	sld [smem:$0x3FC8]  }
0x92: {  	s4 =	sld [smem:$0x3FC7]  }
0x93: {  	s5 =	sld [smem:$0x3FD0];
	(tm) =	ssettm $0x1  }
0x94: {  	s6 =	sld [smem:$0x3FFB];
	_ =	sdelay $0x3  }
0x95: {  	_ =	strace s6  }
0x96: {  	s6 =	sld [smem:$0x3FFC];
	_ =	sdelay $0x3  }
0x97: {  	_ =	strace s6  }
0x98: {  	s6 =	sld [smem:$0x3FFD];
	_ =	sdelay $0x3  }
0x99: {  	_ =	strace s6  }
0x9a: {  	_ =	strace $0x8FFFFFFF  }
0x9b: {  	s20 =	sld [smem:$0x3FDB];
	_ =	sdelay $0x1  }
0x9c: {  	s7 =	simm.s32 $_scs_section_size  }
0x9d: {  	s8 =	simm.s32 $_size__tile_overlayer_lowered;
	s9 =	simm.s32 $_tile_overlayer_lowered  }
0x9e: {  	s23 =	simm.s32 $0x1BFF;
	s22 =	sshll.u32 s9, $0x1;
	s6 =	sadd.s32 s7, s20  }
0x9f: {  	s10 =	simm.s32 $0x0;
	s21 =	sshll.u32 s8, $0x1;
	s8 =	sadd.s32 s22, s6  }
0xa0: {  	[timem:s10], [sflag:s23] =	dma.local [hbm:s8], s21  }
0xa1: {  	_ =	swait.ge [sflag:s23], s21  }
0xa2: {  	s7 =	ssub.s32 $0x0, s21;
	[sflag:s23] =	ssyncset.done $0x0  }
0xa3: {  	[sflag:s23] =	ssyncadd.s32 s7;
	_ =	sdelay $0x1  }
0xa4: {  	s24 =	simm.s32 $0x1B8B  }
0xa5: {  	_ =	swait.ge [sflag:s24], $0x1  }
0xa6: {  	[sflag:s24] =	ssyncset.done $0x0  }
0xa7: {  	s25 =	simm.s32 $0x1B8E;
	[sflag:s24] =	ssyncadd.s32 $0xFFFFFFFF  }
0xa8: {  	s26 =	simm.s32 $execute0_lowered;
	[smem:$0x3FD2] =	sst s25  }
0xa9: {  	s7 =	sshll.u32 s26, $0x1;
	_ =	strace $0x80000046;
	[dreg:$0x1] =	wrdreg $0xFFFFFFFF  }
0xaa: {  	s28 =	simm.s32 $_size_execute0_lowered;
	s6 =	sadd.s32 s6, s7;
	[dreg:$0x0] =	wrdreg $0x0  }
0xab: {  	s7 =	sshll.u32 s28, $0x1;
	[dreg:$0x2] =	wrdreg s6  }
0xac: {  	[dreg:$0x3] =	wrdreg s7  }
0xad: {  	[dreg:$0x4] =	wrdreg $0xC0  }
0xae: {  	_ =	task [dreg:s10], $0x5FFFF  }
0xaf: {  	[dreg:$0x1] =	wrdreg $0xFFFFFFFF  }
0xb0: {  	[dreg:$0x0] =	wrdreg $0x60  }
0xb1: {  	[dreg:$0x2] =	wrdreg s2  }
0xb2: {  	[dreg:$0x3] =	wrdreg s19  }
0xb3: {  	[dreg:$0x4] =	wrdreg s4  }
0xb4: {  	[dreg:$0x5] =	wrdreg s5  }
0xb5: {  	[dreg:$0x6] =	wrdreg $0x9  }
0xb6: {  	_ =	task.clear_ibuf [dreg:s10], $0x7FFFF;
	_ =	strace $0x90000046  }
0xb7: {  	s29 =	simm.s32 $0x9;
	_ =	strace $0x80000048  }
0xb8: {  	_ =	swait.ge [sflag:s29], $0x1  }
0xb9: {  	[sflag:s29] =	ssyncadd.s32 $0xFFFFFFFF  }
0xba: {  	_ =	strace $0x90000048  }
0xbb: {  	_ =	sfence  }
0xbc: {  	s30 =	sld [smem:$0x0];
	_ =	sdelay $0x2  }
0xbd: {  	s31 =	sshll.u32 s1, $0xD;
	s1 =	sshrl.u32 s1, $0x2  }
0xbe: {  	s3 =	sand.u32 $0x4000, s31;
	s1 =	sadd.s32 s1, s30  }
0xbf: {  	s0 =	sor.u32 s3, s0;
	s1 =	sshll.u32 s1, $0x11  }
0xc0: {  	s0 =	sor.u32 s1, s0  }
0xc1: {  	s0 =	sadd.s32 $0x8F2B, s0  }
0xc2: {  	[sflag:s0] =	ssyncadd.remote.s32 $0x1  }
0xc3: {  	_ =	sfence.sel $0xFFFF  }
0xc4: {  	[dreg:$0x0] =	wrdreg $0xFFFFFFFF;
	(pc) =	sbr.abs _section_cstart, $3  }
0xc5: {  	[dreg:$0x1] =	wrdreg $0xFFFFFFFF  }
0xc6: {  	_ =	task.clear_ibuf [dreg:s10], $0x2FFFF;
	_ =	strace $0x9FFFFFFF  }
0xc7: {  	(tm) =	ssettm $0x7FFFFFFF  }
tec
execute0_lowered:
.L_overlay_start_1:
0x0: {  	(tag) =	ssettag $0x1  }
0x1: {  	s0 =	rddreg [dreg:$0x0]  }
0x2: {  	s1 =	rddreg [dreg:$0x1]  }
0x3: {  	s3 =	rddreg [dreg:$0x2]  }
0x4: {  	s2 =	rddreg [dreg:$0x3];
	s5 =	srdreg.scid  }
0x5: {  	s4 =	simm.s32 $0x0;
	s10 =	stileid.u32;
	s12 =	simm.s32 $0x9  }
0x6: {  	s13 =	simm.s32 $0x80;
	s14 =	simm.s32 $0x4800;
	s15 =	simm.s32 $0x8800  }
0x7: {  	s16 =	simm.s32 $0x800;
	s17 =	simm.s32 $0xC800;
	s18 =	simm.s32 $0x1  }
0x8: {  	s19 =	simm.s32 $0x10800;
	s20 =	simm.s32 $0x2;
	s21 =	simm.s32 $0x3  }
0x9: {  	s22 =	simm.s32 $0x4;
	s23 =	simm.s32 $0x5;
	s24 =	simm.s32 $0x6  }
0xa: {  	s25 =	simm.s32 $0x7;
	s26 =	simm.s32 $0x8;
	s28 =	simm.s32 $0x0  }
0xb: {  	s5 =	sand.u32 $0x1, s5;
	[smem:$0x7FF] =	sst s4;
	s8 =	sshll.u32 s10, $0x7  }
0xc: {  	s31 =	sshll.u32 s10, $0xB;
	s6 =	ssub.s32 $0x2, s5;
	_ =	strace $0x80000047  }
0xd: {  	s30 =	sshll.u32 s5, $0xC;
	s0 =	sadd.s32 s0, s8;
	s7 =	sshrl.u32 s6, $0x1  }
0xe: {  	s5 =	sshll.u32 s5, $0x4;
	s8 =	sadd.s32 s3, s31;
	s9 =	ssub.s32 s6, s7  }
0xf: {  	s6 =	sadd.s32 s30, s0;
	s7 =	sshll.u32 s10, $0xE;
	s9 =	smax.u32 s9, $0x1  }
.LBB2_1:
0x10: {  	s0 =	simm.s32 $0x400;
	s3 =	simm.s32 $0x4000  }
0x11: {  	[tilespmem:s4], [sflag:$0x9] =	stream.strided.gather [hbm4b:s6+s0], $0x800, s3, s0, $0x38;
	[tilespmem:$0x14800] =	vst v63  }
0x12: {  	_ =	swait.ge [sflag:s12], $0x800  }
0x13: {  	[sflag:s12] =	ssyncset.done $0x0  }
0x14: {  	[sflag:s12] =	ssyncadd.s32 $0xFFFFF800  }
0x15: {  	[tilespmem:s14], [sflag:$0x1] =	stream.indirect.gather [hbm4b:s1+s13], $0x80, s4, s13, $0xb8;
	[tilespmem:$0x14800] =	vst v63  }
0x16: {  	_ = 	snop  }
0x17: {  	[tilespmem:s15], [sflag:$0x2] =	stream.indirect.gather [hbm4b:s1+s13], $0x80, s13, s13, $0xb8;
	[tilespmem:$0x14800] =	vst v63  }
0x18: {  	_ = 	snop  }
0x19: {  	[tilespmem:s16], [sflag:$0x9] =	stream.linear.gather [hbm4b:s8+s4], $0x4000, $0x38;
	[tilespmem:$0x14800] =	vst v63  }
0x1a: {  	_ =	swait.ge [sflag:s12], $0x4000  }
0x1b: {  	[sflag:s12] =	ssyncset.done $0x0  }
0x1c: {  	s29 =	simm.s32 $0x0;
	[sflag:s12] =	ssyncadd.s32 $0xFFFFC000  }
.LBB2_2:
0x1d: {  	p0 =	seq.s32 s29, $0x0  }
0x1e: {  	s0 =	sshll.u32 s29, $0x2;
	s3 =	simm.s32 @!p0 $0x7  }
0x1f: {  	s30 =	sor.u32 $0x2, s0;
	_ =	swait.ge @!p0 [sflag:s3], $0x4000  }
0x20: {  	s10 =	sshll.u32 s30, $0x7;
	[sflag:s3] =	ssyncset.done @!p0 $0x0  }
0x21: {  	s11 =	sand.u32 $0x3FFFFF80, s10;
	[sflag:s3] =	ssyncadd.s32 @!p0 $0xFFFFC000  }
0x22: {  	[tilespmem:s17], [sflag:$0x3] =	stream.indirect.gather [hbm4b:s1+s13], $0x80, s11, s13, $0xb8;
	[tilespmem:$0x14800] =	vst v63  }
0x23: {  	_ =	swait.ge [sflag:s18], $0x4000  }
0x24: {  	[sflag:s18] =	ssyncset.done $0x0  }
0x25: {  	s31 =	simm.s32 $0x0;
	s3 =	simm.s32 $0x800;
	[sflag:s18] =	ssyncadd.s32 $0xFFFFC000  }
.LBB2_3:
0x26: {  	p1 =	sne.s32 s3, $0xF800;
	v0 =	vld [tilespmem:s31+$0x9F0]  }
0x27: {  	v1 =	vld [tilespmem:s31+$0x800]  }
0x28: {  	v2 =	vld [tilespmem:s31+$0x810]  }
0x29: {  	v3 =	vld [tilespmem:s31+$0x820]  }
0x2a: {  	v4 =	vld [tilespmem:s31+$0x830]  }
0x2b: {  	[tilespmem:s31+$0x49F0] =	vst.add.f32.msk $0xffff, v0  }
0x2c: {  	v0 =	vld [tilespmem:s31+$0x840]  }
0x2d: {  	v5 =	vld [tilespmem:s31+$0x850]  }
0x2e: {  	v6 =	vld [tilespmem:s31+$0x860]  }
0x2f: {  	v7 =	vld [tilespmem:s31+$0x870]  }
0x30: {  	v8 =	vld [tilespmem:s31+$0x880]  }
0x31: {  	v9 =	vld [tilespmem:s31+$0x890]  }
0x32: {  	v10 =	vld [tilespmem:s31+$0x8A0]  }
0x33: {  	v11 =	vld [tilespmem:s31+$0x8B0]  }
0x34: {  	v12 =	vld [tilespmem:s31+$0x8C0]  }
0x35: {  	v13 =	vld [tilespmem:s31+$0x8D0]  }
0x36: {  	v14 =	vld [tilespmem:s31+$0x8E0]  }
0x37: {  	v15 =	vld [tilespmem:s31+$0x8F0]  }
0x38: {  	v16 =	vld [tilespmem:s31+$0x900]  }
0x39: {  	v17 =	vld [tilespmem:s31+$0x910]  }
0x3a: {  	v18 =	vld [tilespmem:s31+$0x920]  }
0x3b: {  	v19 =	vld [tilespmem:s31+$0x930]  }
0x3c: {  	v20 =	vld [tilespmem:s31+$0x940]  }
0x3d: {  	v21 =	vld [tilespmem:s31+$0x950]  }
0x3e: {  	v22 =	vld [tilespmem:s31+$0x960]  }
0x3f: {  	v23 =	vld [tilespmem:s31+$0x970]  }
0x40: {  	v24 =	vld [tilespmem:s31+$0x980]  }
0x41: {  	v25 =	vld [tilespmem:s31+$0x990]  }
0x42: {  	v26 =	vld [tilespmem:s31+$0x9A0]  }
0x43: {  	v27 =	vld [tilespmem:s31+$0x9B0]  }
0x44: {  	v28 =	vld [tilespmem:s31+$0x9C0]  }
0x45: {  	v29 =	vld [tilespmem:s31+$0x9D0]  }
0x46: {  	v30 =	vld [tilespmem:s31+$0x9E0]  }
0x47: {  	[tilespmem:s31+$0x4800] =	vst.add.f32.msk $0xffff, v1  }
0x48: {  	[tilespmem:s31+$0x4810] =	vst.add.f32.msk $0xffff, v2  }
0x49: {  	[tilespmem:s31+$0x4820] =	vst.add.f32.msk $0xffff, v3  }
0x4a: {  	[tilespmem:s31+$0x4830] =	vst.add.f32.msk $0xffff, v4  }
0x4b: {  	[tilespmem:s31+$0x4840] =	vst.add.f32.msk $0xffff, v0  }
0x4c: {  	[tilespmem:s31+$0x4850] =	vst.add.f32.msk $0xffff, v5  }
0x4d: {  	[tilespmem:s31+$0x4860] =	vst.add.f32.msk $0xffff, v6  }
0x4e: {  	[tilespmem:s31+$0x4870] =	vst.add.f32.msk $0xffff, v7  }
0x4f: {  	[tilespmem:s31+$0x4880] =	vst.add.f32.msk $0xffff, v8  }
0x50: {  	[tilespmem:s31+$0x4890] =	vst.add.f32.msk $0xffff, v9  }
0x51: {  	[tilespmem:s31+$0x48A0] =	vst.add.f32.msk $0xffff, v10  }
0x52: {  	[tilespmem:s31+$0x48B0] =	vst.add.f32.msk $0xffff, v11  }
0x53: {  	[tilespmem:s31+$0x48C0] =	vst.add.f32.msk $0xffff, v12  }
0x54: {  	[tilespmem:s31+$0x48D0] =	vst.add.f32.msk $0xffff, v13  }
0x55: {  	[tilespmem:s31+$0x48E0] =	vst.add.f32.msk $0xffff, v14  }
0x56: {  	[tilespmem:s31+$0x48F0] =	vst.add.f32.msk $0xffff, v15  }
0x57: {  	[tilespmem:s31+$0x4900] =	vst.add.f32.msk $0xffff, v16  }
0x58: {  	[tilespmem:s31+$0x4910] =	vst.add.f32.msk $0xffff, v17  }
0x59: {  	[tilespmem:s31+$0x4920] =	vst.add.f32.msk $0xffff, v18  }
0x5a: {  	[tilespmem:s31+$0x4930] =	vst.add.f32.msk $0xffff, v19  }
0x5b: {  	[tilespmem:s31+$0x4940] =	vst.add.f32.msk $0xffff, v20  }
0x5c: {  	[tilespmem:s31+$0x4950] =	vst.add.f32.msk $0xffff, v21  }
0x5d: {  	[tilespmem:s31+$0x4960] =	vst.add.f32.msk $0xffff, v22  }
0x5e: {  	[tilespmem:s31+$0x4970] =	vst.add.f32.msk $0xffff, v23  }
0x5f: {  	[tilespmem:s31+$0x4980] =	vst.add.f32.msk $0xffff, v24  }
0x60: {  	[tilespmem:s31+$0x4990] =	vst.add.f32.msk $0xffff, v25  }
.Ltmp0:
0x61: {  	[tilespmem:s31+$0x49A0] =	vst.add.f32.msk $0xffff, v26;
	(pc) =	sbr.rel @p1 .LBB2_3-.Ltmp0, $4  }
0x62: {  	[tilespmem:s31+$0x49B0] =	vst.add.f32.msk $0xffff, v27  }
0x63: {  	[tilespmem:s31+$0x49C0] =	vst.add.f32.msk $0xffff, v28  }
0x64: {  	[tilespmem:s31+$0x49D0] =	vst.add.f32.msk $0xffff, v29  }
0x65: {  	[tilespmem:s31+$0x49E0] =	vst.add.f32.msk $0xffff, v30;
	s31 =	sshra.s32 s3, $0x2;
	s3 =	sadd.s32 $0x800, s3  }
0x66: {  	v0 =	vld [tilespmem:s31+$0x9F0]  }
0x67: {  	v1 =	vld [tilespmem:s31+$0x800]  }
0x68: {  	v2 =	vld [tilespmem:s31+$0x810]  }
0x69: {  	v3 =	vld [tilespmem:s31+$0x820]  }
0x6a: {  	v4 =	vld [tilespmem:s31+$0x830]  }
0x6b: {  	v63 =	vld [tilespmem:s31+$0x840]  }
0x6c: {  	v5 =	vld [tilespmem:s31+$0x850]  }
0x6d: {  	v6 =	vld [tilespmem:s31+$0x860]  }
0x6e: {  	v7 =	vld [tilespmem:s31+$0x870]  }
0x6f: {  	v8 =	vld [tilespmem:s31+$0x880]  }
0x70: {  	v9 =	vld [tilespmem:s31+$0x890]  }
0x71: {  	v10 =	vld [tilespmem:s31+$0x8A0]  }
0x72: {  	v11 =	vld [tilespmem:s31+$0x8B0]  }
0x73: {  	v12 =	vld [tilespmem:s31+$0x8C0]  }
0x74: {  	v13 =	vld [tilespmem:s31+$0x8D0]  }
0x75: {  	v14 =	vld [tilespmem:s31+$0x8E0]  }
0x76: {  	v15 =	vld [tilespmem:s31+$0x8F0]  }
0x77: {  	v16 =	vld [tilespmem:s31+$0x900]  }
0x78: {  	v17 =	vld [tilespmem:s31+$0x910]  }
0x79: {  	v18 =	vld [tilespmem:s31+$0x920]  }
0x7a: {  	v19 =	vld [tilespmem:s31+$0x930]  }
0x7b: {  	v20 =	vld [tilespmem:s31+$0x940]  }
0x7c: {  	v21 =	vld [tilespmem:s31+$0x950]  }
0x7d: {  	v22 =	vld [tilespmem:s31+$0x960]  }
0x7e: {  	v23 =	vld [tilespmem:s31+$0x970]  }
0x7f: {  	v24 =	vld [tilespmem:s31+$0x980]  }
0x80: {  	v25 =	vld [tilespmem:s31+$0x990]  }
0x81: {  	v26 =	vld [tilespmem:s31+$0x9A0]  }
0x82: {  	v27 =	vld [tilespmem:s31+$0x9B0]  }
0x83: {  	v28 =	vld [tilespmem:s31+$0x9C0]  }
0x84: {  	v29 =	vld [tilespmem:s31+$0x9D0]  }
0x85: {  	v30 =	vld [tilespmem:s31+$0x9E0]  }
0x86: {  	[tilespmem:s31+$0x49F0] =	vst.add.f32.msk $0xffff, v0  }
0x87: {  	[tilespmem:s31+$0x4800] =	vst.add.f32.msk $0xffff, v1  }
0x88: {  	[tilespmem:s31+$0x4810] =	vst.add.f32.msk $0xffff, v2  }
0x89: {  	[tilespmem:s31+$0x4820] =	vst.add.f32.msk $0xffff, v3  }
0x8a: {  	[tilespmem:s31+$0x4830] =	vst.add.f32.msk $0xffff, v4  }
0x8b: {  	[tilespmem:s31+$0x4840] =	vst.add.f32.msk $0xffff, v63  }
0x8c: {  	[tilespmem:s31+$0x4850] =	vst.add.f32.msk $0xffff, v5  }
0x8d: {  	[tilespmem:s31+$0x4860] =	vst.add.f32.msk $0xffff, v6  }
0x8e: {  	[tilespmem:s31+$0x4870] =	vst.add.f32.msk $0xffff, v7  }
0x8f: {  	[tilespmem:s31+$0x4880] =	vst.add.f32.msk $0xffff, v8  }
0x90: {  	[tilespmem:s31+$0x4890] =	vst.add.f32.msk $0xffff, v9  }
0x91: {  	[tilespmem:s31+$0x48A0] =	vst.add.f32.msk $0xffff, v10  }
0x92: {  	[tilespmem:s31+$0x48B0] =	vst.add.f32.msk $0xffff, v11  }
0x93: {  	[tilespmem:s31+$0x48C0] =	vst.add.f32.msk $0xffff, v12  }
0x94: {  	[tilespmem:s31+$0x48D0] =	vst.add.f32.msk $0xffff, v13  }
0x95: {  	[tilespmem:s31+$0x48E0] =	vst.add.f32.msk $0xffff, v14  }
0x96: {  	[tilespmem:s31+$0x48F0] =	vst.add.f32.msk $0xffff, v15  }
0x97: {  	[tilespmem:s31+$0x4900] =	vst.add.f32.msk $0xffff, v16  }
0x98: {  	[tilespmem:s31+$0x4910] =	vst.add.f32.msk $0xffff, v17  }
0x99: {  	[tilespmem:s31+$0x4920] =	vst.add.f32.msk $0xffff, v18  }
0x9a: {  	[tilespmem:s31+$0x4930] =	vst.add.f32.msk $0xffff, v19  }
0x9b: {  	[tilespmem:s31+$0x4940] =	vst.add.f32.msk $0xffff, v20  }
0x9c: {  	[tilespmem:s31+$0x4950] =	vst.add.f32.msk $0xffff, v21  }
0x9d: {  	[tilespmem:s31+$0x4960] =	vst.add.f32.msk $0xffff, v22  }
0x9e: {  	[tilespmem:s31+$0x4970] =	vst.add.f32.msk $0xffff, v23  }
0x9f: {  	[tilespmem:s31+$0x4980] =	vst.add.f32.msk $0xffff, v24  }
0xa0: {  	[tilespmem:s31+$0x4990] =	vst.add.f32.msk $0xffff, v25  }
0xa1: {  	s3 =	sadd.s32 s5, s0;
	[tilespmem:s31+$0x49A0] =	vst.add.f32.msk $0xffff, v26  }
0xa2: {  	s3 =	sshll.u32 s3, $0x12;
	[tilespmem:s31+$0x49B0] =	vst.add.f32.msk $0xffff, v27  }
0xa3: {  	s3 =	sor.u32 s7, s3;
	[tilespmem:s31+$0x49C0] =	vst.add.f32.msk $0xffff, v28  }
0xa4: {  	s3 =	sshrl.u32 s3, $0x3;
	[tilespmem:s31+$0x49D0] =	vst.add.f32.msk $0xffff, v29  }
0xa5: {  	s3 =	sadd.s32 s2, s3;
	[tilespmem:s31+$0x49E0] =	vst.add.f32.msk $0xffff, v30  }
0xa6: {  	[hbm4b:s3+s4] =	stream.linear.scatter [tilespmem:s14], [sflag:$0x5], $0x4000, $0x38;
	[tilespmem:$0x14800] =	vst v63  }
0xa7: {  	s3 =	simm.s32 @!p0 $0x8  }
0xa8: {  	s31 =	sor.u32 $0x3, s0;
	_ =	swait.ge @!p0 [sflag:s3], $0x4000  }
0xa9: {  	s10 =	sshll.u32 s31, $0x7;
	[sflag:s3] =	ssyncset.done @!p0 $0x0  }
0xaa: {  	s11 =	sand.u32 $0x3FFFFF80, s10;
	[sflag:s3] =	ssyncadd.s32 @!p0 $0xFFFFC000  }
0xab: {  	[tilespmem:s19], [sflag:$0x4] =	stream.indirect.gather [hbm4b:s1+s13], $0x80, s11, s13, $0xb8;
	[tilespmem:$0x14800] =	vst v63  }
0xac: {  	_ =	swait.ge [sflag:s20], $0x4000  }
0xad: {  	s10 =	simm.s32 $0x800;
	[sflag:s20] =	ssyncset.done $0x0  }
0xae: {  	s3 =	sor.u32 $0x1, s0;
	s0 =	simm.s32 $0x0;
	[sflag:s20] =	ssyncadd.s32 $0xFFFFC000  }
.LBB2_5:
0xaf: {  	p0 =	sne.s32 s10, $0xF800;
	v0 =	vld [tilespmem:s0+$0x9F0]  }
0xb0: {  	v1 =	vld [tilespmem:s0+$0x800]  }
0xb1: {  	v2 =	vld [tilespmem:s0+$0x810]  }
0xb2: {  	v3 =	vld [tilespmem:s0+$0x820]  }
0xb3: {  	v4 =	vld [tilespmem:s0+$0x830]  }
0xb4: {  	[tilespmem:s0+$0x89F0] =	vst.add.f32.msk $0xffff, v0  }
0xb5: {  	v0 =	vld [tilespmem:s0+$0x840]  }
0xb6: {  	v5 =	vld [tilespmem:s0+$0x850]  }
0xb7: {  	v6 =	vld [tilespmem:s0+$0x860]  }
0xb8: {  	v7 =	vld [tilespmem:s0+$0x870]  }
0xb9: {  	v8 =	vld [tilespmem:s0+$0x880]  }
0xba: {  	v9 =	vld [tilespmem:s0+$0x890]  }
0xbb: {  	v10 =	vld [tilespmem:s0+$0x8A0]  }
0xbc: {  	v11 =	vld [tilespmem:s0+$0x8B0]  }
0xbd: {  	v12 =	vld [tilespmem:s0+$0x8C0]  }
0xbe: {  	v13 =	vld [tilespmem:s0+$0x8D0]  }
0xbf: {  	v14 =	vld [tilespmem:s0+$0x8E0]  }
0xc0: {  	v15 =	vld [tilespmem:s0+$0x8F0]  }
0xc1: {  	v16 =	vld [tilespmem:s0+$0x900]  }
0xc2: {  	v17 =	vld [tilespmem:s0+$0x910]  }
0xc3: {  	v18 =	vld [tilespmem:s0+$0x920]  }
0xc4: {  	v19 =	vld [tilespmem:s0+$0x930]  }
0xc5: {  	v20 =	vld [tilespmem:s0+$0x940]  }
0xc6: {  	v21 =	vld [tilespmem:s0+$0x950]  }
0xc7: {  	v22 =	vld [tilespmem:s0+$0x960]  }
0xc8: {  	v23 =	vld [tilespmem:s0+$0x970]  }
0xc9: {  	v24 =	vld [tilespmem:s0+$0x980]  }
0xca: {  	v25 =	vld [tilespmem:s0+$0x990]  }
0xcb: {  	v26 =	vld [tilespmem:s0+$0x9A0]  }
0xcc: {  	v27 =	vld [tilespmem:s0+$0x9B0]  }
0xcd: {  	v28 =	vld [tilespmem:s0+$0x9C0]  }
0xce: {  	v29 =	vld [tilespmem:s0+$0x9D0]  }
0xcf: {  	v30 =	vld [tilespmem:s0+$0x9E0]  }
0xd0: {  	[tilespmem:s0+$0x8800] =	vst.add.f32.msk $0xffff, v1  }
0xd1: {  	[tilespmem:s0+$0x8810] =	vst.add.f32.msk $0xffff, v2  }
0xd2: {  	[tilespmem:s0+$0x8820] =	vst.add.f32.msk $0xffff, v3  }
0xd3: {  	[tilespmem:s0+$0x8830] =	vst.add.f32.msk $0xffff, v4  }
0xd4: {  	[tilespmem:s0+$0x8840] =	vst.add.f32.msk $0xffff, v0  }
0xd5: {  	[tilespmem:s0+$0x8850] =	vst.add.f32.msk $0xffff, v5  }
0xd6: {  	[tilespmem:s0+$0x8860] =	vst.add.f32.msk $0xffff, v6  }
0xd7: {  	[tilespmem:s0+$0x8870] =	vst.add.f32.msk $0xffff, v7  }
0xd8: {  	[tilespmem:s0+$0x8880] =	vst.add.f32.msk $0xffff, v8  }
0xd9: {  	[tilespmem:s0+$0x8890] =	vst.add.f32.msk $0xffff, v9  }
0xda: {  	[tilespmem:s0+$0x88A0] =	vst.add.f32.msk $0xffff, v10  }
0xdb: {  	[tilespmem:s0+$0x88B0] =	vst.add.f32.msk $0xffff, v11  }
0xdc: {  	[tilespmem:s0+$0x88C0] =	vst.add.f32.msk $0xffff, v12  }
0xdd: {  	[tilespmem:s0+$0x88D0] =	vst.add.f32.msk $0xffff, v13  }
0xde: {  	[tilespmem:s0+$0x88E0] =	vst.add.f32.msk $0xffff, v14  }
0xdf: {  	[tilespmem:s0+$0x88F0] =	vst.add.f32.msk $0xffff, v15  }
0xe0: {  	[tilespmem:s0+$0x8900] =	vst.add.f32.msk $0xffff, v16  }
0xe1: {  	[tilespmem:s0+$0x8910] =	vst.add.f32.msk $0xffff, v17  }
0xe2: {  	[tilespmem:s0+$0x8920] =	vst.add.f32.msk $0xffff, v18  }
0xe3: {  	[tilespmem:s0+$0x8930] =	vst.add.f32.msk $0xffff, v19  }
0xe4: {  	[tilespmem:s0+$0x8940] =	vst.add.f32.msk $0xffff, v20  }
0xe5: {  	[tilespmem:s0+$0x8950] =	vst.add.f32.msk $0xffff, v21  }
0xe6: {  	[tilespmem:s0+$0x8960] =	vst.add.f32.msk $0xffff, v22  }
0xe7: {  	[tilespmem:s0+$0x8970] =	vst.add.f32.msk $0xffff, v23  }
0xe8: {  	[tilespmem:s0+$0x8980] =	vst.add.f32.msk $0xffff, v24  }
0xe9: {  	[tilespmem:s0+$0x8990] =	vst.add.f32.msk $0xffff, v25  }
.Ltmp1:
0xea: {  	[tilespmem:s0+$0x89A0] =	vst.add.f32.msk $0xffff, v26;
	(pc) =	sbr.rel @p0 .LBB2_5-.Ltmp1, $4  }
0xeb: {  	[tilespmem:s0+$0x89B0] =	vst.add.f32.msk $0xffff, v27  }
0xec: {  	[tilespmem:s0+$0x89C0] =	vst.add.f32.msk $0xffff, v28  }
0xed: {  	[tilespmem:s0+$0x89D0] =	vst.add.f32.msk $0xffff, v29  }
0xee: {  	[tilespmem:s0+$0x89E0] =	vst.add.f32.msk $0xffff, v30;
	s0 =	sshra.s32 s10, $0x2;
	s10 =	sadd.s32 $0x800, s10  }
0xef: {  	v0 =	vld [tilespmem:s0+$0x9F0]  }
0xf0: {  	v1 =	vld [tilespmem:s0+$0x800]  }
0xf1: {  	v2 =	vld [tilespmem:s0+$0x810]  }
0xf2: {  	v3 =	vld [tilespmem:s0+$0x820]  }
0xf3: {  	v4 =	vld [tilespmem:s0+$0x830]  }
0xf4: {  	v63 =	vld [tilespmem:s0+$0x840]  }
0xf5: {  	v5 =	vld [tilespmem:s0+$0x850]  }
0xf6: {  	v6 =	vld [tilespmem:s0+$0x860]  }
0xf7: {  	v7 =	vld [tilespmem:s0+$0x870]  }
0xf8: {  	v8 =	vld [tilespmem:s0+$0x880]  }
0xf9: {  	v9 =	vld [tilespmem:s0+$0x890]  }
0xfa: {  	v10 =	vld [tilespmem:s0+$0x8A0]  }
0xfb: {  	v11 =	vld [tilespmem:s0+$0x8B0]  }
0xfc: {  	v12 =	vld [tilespmem:s0+$0x8C0]  }
0xfd: {  	v13 =	vld [tilespmem:s0+$0x8D0]  }
0xfe: {  	v14 =	vld [tilespmem:s0+$0x8E0]  }
0xff: {  	v15 =	vld [tilespmem:s0+$0x8F0]  }
0x100: {  	v16 =	vld [tilespmem:s0+$0x900]  }
0x101: {  	v17 =	vld [tilespmem:s0+$0x910]  }
0x102: {  	v18 =	vld [tilespmem:s0+$0x920]  }
0x103: {  	v19 =	vld [tilespmem:s0+$0x930]  }
0x104: {  	v20 =	vld [tilespmem:s0+$0x940]  }
0x105: {  	v21 =	vld [tilespmem:s0+$0x950]  }
0x106: {  	v22 =	vld [tilespmem:s0+$0x960]  }
0x107: {  	v23 =	vld [tilespmem:s0+$0x970]  }
0x108: {  	v24 =	vld [tilespmem:s0+$0x980]  }
0x109: {  	v25 =	vld [tilespmem:s0+$0x990]  }
0x10a: {  	v26 =	vld [tilespmem:s0+$0x9A0]  }
0x10b: {  	v27 =	vld [tilespmem:s0+$0x9B0]  }
0x10c: {  	v28 =	vld [tilespmem:s0+$0x9C0]  }
0x10d: {  	v29 =	vld [tilespmem:s0+$0x9D0]  }
0x10e: {  	v30 =	vld [tilespmem:s0+$0x9E0]  }
0x10f: {  	[tilespmem:s0+$0x89F0] =	vst.add.f32.msk $0xffff, v0  }
0x110: {  	[tilespmem:s0+$0x8800] =	vst.add.f32.msk $0xffff, v1  }
0x111: {  	[tilespmem:s0+$0x8810] =	vst.add.f32.msk $0xffff, v2  }
0x112: {  	[tilespmem:s0+$0x8820] =	vst.add.f32.msk $0xffff, v3  }
0x113: {  	[tilespmem:s0+$0x8830] =	vst.add.f32.msk $0xffff, v4  }
0x114: {  	[tilespmem:s0+$0x8840] =	vst.add.f32.msk $0xffff, v63  }
0x115: {  	[tilespmem:s0+$0x8850] =	vst.add.f32.msk $0xffff, v5  }
0x116: {  	[tilespmem:s0+$0x8860] =	vst.add.f32.msk $0xffff, v6  }
0x117: {  	[tilespmem:s0+$0x8870] =	vst.add.f32.msk $0xffff, v7  }
0x118: {  	[tilespmem:s0+$0x8880] =	vst.add.f32.msk $0xffff, v8  }
0x119: {  	[tilespmem:s0+$0x8890] =	vst.add.f32.msk $0xffff, v9  }
0x11a: {  	[tilespmem:s0+$0x88A0] =	vst.add.f32.msk $0xffff, v10  }
0x11b: {  	[tilespmem:s0+$0x88B0] =	vst.add.f32.msk $0xffff, v11  }
0x11c: {  	[tilespmem:s0+$0x88C0] =	vst.add.f32.msk $0xffff, v12  }
0x11d: {  	[tilespmem:s0+$0x88D0] =	vst.add.f32.msk $0xffff, v13  }
0x11e: {  	[tilespmem:s0+$0x88E0] =	vst.add.f32.msk $0xffff, v14  }
0x11f: {  	[tilespmem:s0+$0x88F0] =	vst.add.f32.msk $0xffff, v15  }
0x120: {  	[tilespmem:s0+$0x8900] =	vst.add.f32.msk $0xffff, v16  }
0x121: {  	[tilespmem:s0+$0x8910] =	vst.add.f32.msk $0xffff, v17  }
0x122: {  	[tilespmem:s0+$0x8920] =	vst.add.f32.msk $0xffff, v18  }
0x123: {  	[tilespmem:s0+$0x8930] =	vst.add.f32.msk $0xffff, v19  }
0x124: {  	[tilespmem:s0+$0x8940] =	vst.add.f32.msk $0xffff, v20  }
0x125: {  	[tilespmem:s0+$0x8950] =	vst.add.f32.msk $0xffff, v21  }
0x126: {  	[tilespmem:s0+$0x8960] =	vst.add.f32.msk $0xffff, v22  }
0x127: {  	[tilespmem:s0+$0x8970] =	vst.add.f32.msk $0xffff, v23  }
0x128: {  	[tilespmem:s0+$0x8980] =	vst.add.f32.msk $0xffff, v24  }
0x129: {  	[tilespmem:s0+$0x8990] =	vst.add.f32.msk $0xffff, v25  }
0x12a: {  	s3 =	sadd.s32 s5, s3;
	[tilespmem:s0+$0x89A0] =	vst.add.f32.msk $0xffff, v26  }
0x12b: {  	s3 =	sshll.u32 s3, $0x12;
	[tilespmem:s0+$0x89B0] =	vst.add.f32.msk $0xffff, v27  }
0x12c: {  	s3 =	sor.u32 s7, s3;
	[tilespmem:s0+$0x89C0] =	vst.add.f32.msk $0xffff, v28  }
0x12d: {  	p0 =	seq.s32 s29, $0x3;
	s3 =	sshrl.u32 s3, $0x3;
	[tilespmem:s0+$0x89D0] =	vst.add.f32.msk $0xffff, v29  }
0x12e: {  	s11 =	sadd.s32 s2, s3;
	[tilespmem:s0+$0x89E0] =	vst.add.f32.msk $0xffff, v30;
	s0 =	simm.s32 @!p0 $0x5  }
0x12f: {  	[hbm4b:s11+s4] =	stream.linear.scatter [tilespmem:s15], [sflag:$0x6], $0x4000, $0x38;
	[tilespmem:$0x14800] =	vst v63  }
0x130: {  	_ =	swait.ge @!p0 [sflag:s0], $0x4000  }
0x131: {  	s3 =	sshll.u32 @!p0 s29, $0x9;
	[sflag:s0] =	ssyncset.done @!p0 $0x0  }
0x132: {  	[sflag:s0] =	ssyncadd.s32 @!p0 $0xFFFFC000;
	s0 =	sand.u32 @!p0 $0x3FFFFE00, s3  }
0x133: {  	s10 =	simm.s32 @!p0 $0x80;
	s11 =	simm.s32 @!p0 $0x4800;
	s3 =	sadd.s32 @!p0 $0x200, s0  }
0x134: {  	[tilespmem:s11], [sflag:$0x1] =	stream.indirect.gather @!p0 [hbm4b:s1+s10], $0x80, s3, s10, $0xb8;
	[tilespmem:$0x14800] =	vst v63  }
0x135: {  	_ =	swait.ge [sflag:s21], $0x4000  }
0x136: {  	[sflag:s21] =	ssyncset.done $0x0  }
0x137: {  	s3 =	simm.s32 $0x0;
	s10 =	simm.s32 $0x800;
	[sflag:s21] =	ssyncadd.s32 $0xFFFFC000  }
.LBB2_7:
0x138: {  	p1 =	sne.s32 s10, $0xF800;
	v0 =	vld [tilespmem:s3+$0x9F0]  }
0x139: {  	v1 =	vld [tilespmem:s3+$0x800]  }
0x13a: {  	v2 =	vld [tilespmem:s3+$0x810]  }
0x13b: {  	v3 =	vld [tilespmem:s3+$0x820]  }
0x13c: {  	v4 =	vld [tilespmem:s3+$0x830]  }
0x13d: {  	[tilespmem:s3+$0xC9F0] =	vst.add.f32.msk $0xffff, v0  }
0x13e: {  	v0 =	vld [tilespmem:s3+$0x840]  }
0x13f: {  	v5 =	vld [tilespmem:s3+$0x850]  }
0x140: {  	v6 =	vld [tilespmem:s3+$0x860]  }
0x141: {  	v7 =	vld [tilespmem:s3+$0x870]  }
0x142: {  	v8 =	vld [tilespmem:s3+$0x880]  }
0x143: {  	v9 =	vld [tilespmem:s3+$0x890]  }
0x144: {  	v10 =	vld [tilespmem:s3+$0x8A0]  }
0x145: {  	v11 =	vld [tilespmem:s3+$0x8B0]  }
0x146: {  	v12 =	vld [tilespmem:s3+$0x8C0]  }
0x147: {  	v13 =	vld [tilespmem:s3+$0x8D0]  }
0x148: {  	v14 =	vld [tilespmem:s3+$0x8E0]  }
0x149: {  	v15 =	vld [tilespmem:s3+$0x8F0]  }
0x14a: {  	v16 =	vld [tilespmem:s3+$0x900]  }
0x14b: {  	v17 =	vld [tilespmem:s3+$0x910]  }
0x14c: {  	v18 =	vld [tilespmem:s3+$0x920]  }
0x14d: {  	v19 =	vld [tilespmem:s3+$0x930]  }
0x14e: {  	v20 =	vld [tilespmem:s3+$0x940]  }
0x14f: {  	v21 =	vld [tilespmem:s3+$0x950]  }
0x150: {  	v22 =	vld [tilespmem:s3+$0x960]  }
0x151: {  	v23 =	vld [tilespmem:s3+$0x970]  }
0x152: {  	v24 =	vld [tilespmem:s3+$0x980]  }
0x153: {  	v25 =	vld [tilespmem:s3+$0x990]  }
0x154: {  	v26 =	vld [tilespmem:s3+$0x9A0]  }
0x155: {  	v27 =	vld [tilespmem:s3+$0x9B0]  }
0x156: {  	v28 =	vld [tilespmem:s3+$0x9C0]  }
0x157: {  	v29 =	vld [tilespmem:s3+$0x9D0]  }
0x158: {  	v30 =	vld [tilespmem:s3+$0x9E0]  }
0x159: {  	[tilespmem:s3+$0xC800] =	vst.add.f32.msk $0xffff, v1  }
0x15a: {  	[tilespmem:s3+$0xC810] =	vst.add.f32.msk $0xffff, v2  }
0x15b: {  	[tilespmem:s3+$0xC820] =	vst.add.f32.msk $0xffff, v3  }
0x15c: {  	[tilespmem:s3+$0xC830] =	vst.add.f32.msk $0xffff, v4  }
0x15d: {  	[tilespmem:s3+$0xC840] =	vst.add.f32.msk $0xffff, v0  }
0x15e: {  	[tilespmem:s3+$0xC850] =	vst.add.f32.msk $0xffff, v5  }
0x15f: {  	[tilespmem:s3+$0xC860] =	vst.add.f32.msk $0xffff, v6  }
0x160: {  	[tilespmem:s3+$0xC870] =	vst.add.f32.msk $0xffff, v7  }
0x161: {  	[tilespmem:s3+$0xC880] =	vst.add.f32.msk $0xffff, v8  }
0x162: {  	[tilespmem:s3+$0xC890] =	vst.add.f32.msk $0xffff, v9  }
0x163: {  	[tilespmem:s3+$0xC8A0] =	vst.add.f32.msk $0xffff, v10  }
0x164: {  	[tilespmem:s3+$0xC8B0] =	vst.add.f32.msk $0xffff, v11  }
0x165: {  	[tilespmem:s3+$0xC8C0] =	vst.add.f32.msk $0xffff, v12  }
0x166: {  	[tilespmem:s3+$0xC8D0] =	vst.add.f32.msk $0xffff, v13  }
0x167: {  	[tilespmem:s3+$0xC8E0] =	vst.add.f32.msk $0xffff, v14  }
0x168: {  	[tilespmem:s3+$0xC8F0] =	vst.add.f32.msk $0xffff, v15  }
0x169: {  	[tilespmem:s3+$0xC900] =	vst.add.f32.msk $0xffff, v16  }
0x16a: {  	[tilespmem:s3+$0xC910] =	vst.add.f32.msk $0xffff, v17  }
0x16b: {  	[tilespmem:s3+$0xC920] =	vst.add.f32.msk $0xffff, v18  }
0x16c: {  	[tilespmem:s3+$0xC930] =	vst.add.f32.msk $0xffff, v19  }
0x16d: {  	[tilespmem:s3+$0xC940] =	vst.add.f32.msk $0xffff, v20  }
0x16e: {  	[tilespmem:s3+$0xC950] =	vst.add.f32.msk $0xffff, v21  }
0x16f: {  	[tilespmem:s3+$0xC960] =	vst.add.f32.msk $0xffff, v22  }
0x170: {  	[tilespmem:s3+$0xC970] =	vst.add.f32.msk $0xffff, v23  }
0x171: {  	[tilespmem:s3+$0xC980] =	vst.add.f32.msk $0xffff, v24  }
0x172: {  	[tilespmem:s3+$0xC990] =	vst.add.f32.msk $0xffff, v25  }
.Ltmp2:
0x173: {  	[tilespmem:s3+$0xC9A0] =	vst.add.f32.msk $0xffff, v26;
	(pc) =	sbr.rel @p1 .LBB2_7-.Ltmp2, $4  }
0x174: {  	[tilespmem:s3+$0xC9B0] =	vst.add.f32.msk $0xffff, v27  }
0x175: {  	[tilespmem:s3+$0xC9C0] =	vst.add.f32.msk $0xffff, v28  }
0x176: {  	[tilespmem:s3+$0xC9D0] =	vst.add.f32.msk $0xffff, v29  }
0x177: {  	[tilespmem:s3+$0xC9E0] =	vst.add.f32.msk $0xffff, v30;
	s3 =	sshra.s32 s10, $0x2;
	s10 =	sadd.s32 $0x800, s10  }
0x178: {  	v0 =	vld [tilespmem:s3+$0x9F0]  }
0x179: {  	v1 =	vld [tilespmem:s3+$0x800]  }
0x17a: {  	v2 =	vld [tilespmem:s3+$0x810]  }
0x17b: {  	v3 =	vld [tilespmem:s3+$0x820]  }
0x17c: {  	v4 =	vld [tilespmem:s3+$0x830]  }
0x17d: {  	v63 =	vld [tilespmem:s3+$0x840]  }
0x17e: {  	v5 =	vld [tilespmem:s3+$0x850]  }
0x17f: {  	v6 =	vld [tilespmem:s3+$0x860]  }
0x180: {  	v7 =	vld [tilespmem:s3+$0x870]  }
0x181: {  	v8 =	vld [tilespmem:s3+$0x880]  }
0x182: {  	v9 =	vld [tilespmem:s3+$0x890]  }
0x183: {  	v10 =	vld [tilespmem:s3+$0x8A0]  }
0x184: {  	v11 =	vld [tilespmem:s3+$0x8B0]  }
0x185: {  	v12 =	vld [tilespmem:s3+$0x8C0]  }
0x186: {  	v13 =	vld [tilespmem:s3+$0x8D0]  }
0x187: {  	v14 =	vld [tilespmem:s3+$0x8E0]  }
0x188: {  	v15 =	vld [tilespmem:s3+$0x8F0]  }
0x189: {  	v16 =	vld [tilespmem:s3+$0x900]  }
0x18a: {  	v17 =	vld [tilespmem:s3+$0x910]  }
0x18b: {  	v18 =	vld [tilespmem:s3+$0x920]  }
0x18c: {  	v19 =	vld [tilespmem:s3+$0x930]  }
0x18d: {  	v20 =	vld [tilespmem:s3+$0x940]  }
0x18e: {  	v21 =	vld [tilespmem:s3+$0x950]  }
0x18f: {  	v22 =	vld [tilespmem:s3+$0x960]  }
0x190: {  	v23 =	vld [tilespmem:s3+$0x970]  }
0x191: {  	v24 =	vld [tilespmem:s3+$0x980]  }
0x192: {  	v25 =	vld [tilespmem:s3+$0x990]  }
0x193: {  	v26 =	vld [tilespmem:s3+$0x9A0]  }
0x194: {  	v27 =	vld [tilespmem:s3+$0x9B0]  }
0x195: {  	v28 =	vld [tilespmem:s3+$0x9C0]  }
0x196: {  	v29 =	vld [tilespmem:s3+$0x9D0]  }
0x197: {  	v30 =	vld [tilespmem:s3+$0x9E0]  }
0x198: {  	[tilespmem:s3+$0xC9F0] =	vst.add.f32.msk $0xffff, v0  }
0x199: {  	[tilespmem:s3+$0xC800] =	vst.add.f32.msk $0xffff, v1  }
0x19a: {  	[tilespmem:s3+$0xC810] =	vst.add.f32.msk $0xffff, v2  }
0x19b: {  	[tilespmem:s3+$0xC820] =	vst.add.f32.msk $0xffff, v3  }
0x19c: {  	[tilespmem:s3+$0xC830] =	vst.add.f32.msk $0xffff, v4  }
0x19d: {  	[tilespmem:s3+$0xC840] =	vst.add.f32.msk $0xffff, v63  }
0x19e: {  	[tilespmem:s3+$0xC850] =	vst.add.f32.msk $0xffff, v5  }
0x19f: {  	[tilespmem:s3+$0xC860] =	vst.add.f32.msk $0xffff, v6  }
0x1a0: {  	[tilespmem:s3+$0xC870] =	vst.add.f32.msk $0xffff, v7  }
0x1a1: {  	[tilespmem:s3+$0xC880] =	vst.add.f32.msk $0xffff, v8  }
0x1a2: {  	[tilespmem:s3+$0xC890] =	vst.add.f32.msk $0xffff, v9  }
0x1a3: {  	[tilespmem:s3+$0xC8A0] =	vst.add.f32.msk $0xffff, v10  }
0x1a4: {  	[tilespmem:s3+$0xC8B0] =	vst.add.f32.msk $0xffff, v11  }
0x1a5: {  	[tilespmem:s3+$0xC8C0] =	vst.add.f32.msk $0xffff, v12  }
0x1a6: {  	[tilespmem:s3+$0xC8D0] =	vst.add.f32.msk $0xffff, v13  }
0x1a7: {  	[tilespmem:s3+$0xC8E0] =	vst.add.f32.msk $0xffff, v14  }
0x1a8: {  	[tilespmem:s3+$0xC8F0] =	vst.add.f32.msk $0xffff, v15  }
0x1a9: {  	[tilespmem:s3+$0xC900] =	vst.add.f32.msk $0xffff, v16  }
0x1aa: {  	[tilespmem:s3+$0xC910] =	vst.add.f32.msk $0xffff, v17  }
0x1ab: {  	[tilespmem:s3+$0xC920] =	vst.add.f32.msk $0xffff, v18  }
0x1ac: {  	[tilespmem:s3+$0xC930] =	vst.add.f32.msk $0xffff, v19  }
0x1ad: {  	[tilespmem:s3+$0xC940] =	vst.add.f32.msk $0xffff, v20  }
0x1ae: {  	[tilespmem:s3+$0xC950] =	vst.add.f32.msk $0xffff, v21  }
0x1af: {  	[tilespmem:s3+$0xC960] =	vst.add.f32.msk $0xffff, v22  }
0x1b0: {  	[tilespmem:s3+$0xC970] =	vst.add.f32.msk $0xffff, v23  }
0x1b1: {  	[tilespmem:s3+$0xC980] =	vst.add.f32.msk $0xffff, v24  }
0x1b2: {  	[tilespmem:s3+$0xC990] =	vst.add.f32.msk $0xffff, v25  }
0x1b3: {  	s10 =	sadd.s32 s5, s30;
	[tilespmem:s3+$0xC9A0] =	vst.add.f32.msk $0xffff, v26  }
0x1b4: {  	s10 =	sshll.u32 s10, $0x12;
	[tilespmem:s3+$0xC9B0] =	vst.add.f32.msk $0xffff, v27  }
0x1b5: {  	s10 =	sor.u32 s7, s10;
	[tilespmem:s3+$0xC9C0] =	vst.add.f32.msk $0xffff, v28  }
0x1b6: {  	s10 =	sshrl.u32 s10, $0x3;
	[tilespmem:s3+$0xC9D0] =	vst.add.f32.msk $0xffff, v29  }
0x1b7: {  	s30 =	sadd.s32 s2, s10;
	[tilespmem:s3+$0xC9E0] =	vst.add.f32.msk $0xffff, v30;
	s3 =	simm.s32 @!p0 $0x6  }
0x1b8: {  	[hbm4b:s30+s4] =	stream.linear.scatter [tilespmem:s17], [sflag:$0x7], $0x4000, $0x38;
	[tilespmem:$0x14800] =	vst v63  }
0x1b9: {  	_ =	swait.ge @!p0 [sflag:s3], $0x4000  }
0x1ba: {  	s0 =	sadd.s32 @!p0 $0x280, s0;
	[sflag:s3] =	ssyncset.done @!p0 $0x0  }
0x1bb: {  	s10 =	simm.s32 @!p0 $0x8800;
	[sflag:s3] =	ssyncadd.s32 @!p0 $0xFFFFC000;
	s3 =	simm.s32 @!p0 $0x80  }
0x1bc: {  	[tilespmem:s10], [sflag:$0x2] =	stream.indirect.gather @!p0 [hbm4b:s1+s3], $0x80, s0, s3, $0xb8;
	[tilespmem:$0x14800] =	vst v63  }
0x1bd: {  	_ =	swait.ge [sflag:s22], $0x4000  }
0x1be: {  	[sflag:s22] =	ssyncset.done $0x0  }
0x1bf: {  	s0 =	simm.s32 $0x0;
	s3 =	simm.s32 $0x800;
	[sflag:s22] =	ssyncadd.s32 $0xFFFFC000  }
.LBB2_9:
0x1c0: {  	p0 =	sne.s32 s3, $0xF800;
	v0 =	vld [tilespmem:s0+$0x9F0]  }
0x1c1: {  	v1 =	vld [tilespmem:s0+$0x800]  }
0x1c2: {  	v2 =	vld [tilespmem:s0+$0x810]  }
0x1c3: {  	v3 =	vld [tilespmem:s0+$0x820]  }
0x1c4: {  	v4 =	vld [tilespmem:s0+$0x830]  }
0x1c5: {  	[tilespmem:s0+$0x109F0] =	vst.add.f32.msk $0xffff, v0  }
0x1c6: {  	v0 =	vld [tilespmem:s0+$0x840]  }
0x1c7: {  	v5 =	vld [tilespmem:s0+$0x850]  }
0x1c8: {  	v6 =	vld [tilespmem:s0+$0x860]  }
0x1c9: {  	v7 =	vld [tilespmem:s0+$0x870]  }
0x1ca: {  	v8 =	vld [tilespmem:s0+$0x880]  }
0x1cb: {  	v9 =	vld [tilespmem:s0+$0x890]  }
0x1cc: {  	v10 =	vld [tilespmem:s0+$0x8A0]  }
0x1cd: {  	v11 =	vld [tilespmem:s0+$0x8B0]  }
0x1ce: {  	v12 =	vld [tilespmem:s0+$0x8C0]  }
0x1cf: {  	v13 =	vld [tilespmem:s0+$0x8D0]  }
0x1d0: {  	v14 =	vld [tilespmem:s0+$0x8E0]  }
0x1d1: {  	v15 =	vld [tilespmem:s0+$0x8F0]  }
0x1d2: {  	v16 =	vld [tilespmem:s0+$0x900]  }
0x1d3: {  	v17 =	vld [tilespmem:s0+$0x910]  }
0x1d4: {  	v18 =	vld [tilespmem:s0+$0x920]  }
0x1d5: {  	v19 =	vld [tilespmem:s0+$0x930]  }
0x1d6: {  	v20 =	vld [tilespmem:s0+$0x940]  }
0x1d7: {  	v21 =	vld [tilespmem:s0+$0x950]  }
0x1d8: {  	v22 =	vld [tilespmem:s0+$0x960]  }
0x1d9: {  	v23 =	vld [tilespmem:s0+$0x970]  }
0x1da: {  	v24 =	vld [tilespmem:s0+$0x980]  }
0x1db: {  	v25 =	vld [tilespmem:s0+$0x990]  }
0x1dc: {  	v26 =	vld [tilespmem:s0+$0x9A0]  }
0x1dd: {  	v27 =	vld [tilespmem:s0+$0x9B0]  }
0x1de: {  	v28 =	vld [tilespmem:s0+$0x9C0]  }
0x1df: {  	v29 =	vld [tilespmem:s0+$0x9D0]  }
0x1e0: {  	v30 =	vld [tilespmem:s0+$0x9E0]  }
0x1e1: {  	[tilespmem:s0+$0x10800] =	vst.add.f32.msk $0xffff, v1  }
0x1e2: {  	[tilespmem:s0+$0x10810] =	vst.add.f32.msk $0xffff, v2  }
0x1e3: {  	[tilespmem:s0+$0x10820] =	vst.add.f32.msk $0xffff, v3  }
0x1e4: {  	[tilespmem:s0+$0x10830] =	vst.add.f32.msk $0xffff, v4  }
0x1e5: {  	[tilespmem:s0+$0x10840] =	vst.add.f32.msk $0xffff, v0  }
0x1e6: {  	[tilespmem:s0+$0x10850] =	vst.add.f32.msk $0xffff, v5  }
0x1e7: {  	[tilespmem:s0+$0x10860] =	vst.add.f32.msk $0xffff, v6  }
0x1e8: {  	[tilespmem:s0+$0x10870] =	vst.add.f32.msk $0xffff, v7  }
0x1e9: {  	[tilespmem:s0+$0x10880] =	vst.add.f32.msk $0xffff, v8  }
0x1ea: {  	[tilespmem:s0+$0x10890] =	vst.add.f32.msk $0xffff, v9  }
0x1eb: {  	[tilespmem:s0+$0x108A0] =	vst.add.f32.msk $0xffff, v10  }
0x1ec: {  	[tilespmem:s0+$0x108B0] =	vst.add.f32.msk $0xffff, v11  }
0x1ed: {  	[tilespmem:s0+$0x108C0] =	vst.add.f32.msk $0xffff, v12  }
0x1ee: {  	[tilespmem:s0+$0x108D0] =	vst.add.f32.msk $0xffff, v13  }
0x1ef: {  	[tilespmem:s0+$0x108E0] =	vst.add.f32.msk $0xffff, v14  }
0x1f0: {  	[tilespmem:s0+$0x108F0] =	vst.add.f32.msk $0xffff, v15  }
0x1f1: {  	[tilespmem:s0+$0x10900] =	vst.add.f32.msk $0xffff, v16  }
0x1f2: {  	[tilespmem:s0+$0x10910] =	vst.add.f32.msk $0xffff, v17  }
0x1f3: {  	[tilespmem:s0+$0x10920] =	vst.add.f32.msk $0xffff, v18  }
0x1f4: {  	[tilespmem:s0+$0x10930] =	vst.add.f32.msk $0xffff, v19  }
0x1f5: {  	[tilespmem:s0+$0x10940] =	vst.add.f32.msk $0xffff, v20  }
0x1f6: {  	[tilespmem:s0+$0x10950] =	vst.add.f32.msk $0xffff, v21  }
0x1f7: {  	[tilespmem:s0+$0x10960] =	vst.add.f32.msk $0xffff, v22  }
0x1f8: {  	[tilespmem:s0+$0x10970] =	vst.add.f32.msk $0xffff, v23  }
0x1f9: {  	[tilespmem:s0+$0x10980] =	vst.add.f32.msk $0xffff, v24  }
0x1fa: {  	[tilespmem:s0+$0x10990] =	vst.add.f32.msk $0xffff, v25  }
.Ltmp3:
0x1fb: {  	[tilespmem:s0+$0x109A0] =	vst.add.f32.msk $0xffff, v26;
	(pc) =	sbr.rel @p0 .LBB2_9-.Ltmp3, $4  }
0x1fc: {  	[tilespmem:s0+$0x109B0] =	vst.add.f32.msk $0xffff, v27  }
0x1fd: {  	[tilespmem:s0+$0x109C0] =	vst.add.f32.msk $0xffff, v28  }
0x1fe: {  	[tilespmem:s0+$0x109D0] =	vst.add.f32.msk $0xffff, v29  }
0x1ff: {  	[tilespmem:s0+$0x109E0] =	vst.add.f32.msk $0xffff, v30;
	s0 =	sshra.s32 s3, $0x2;
	s3 =	sadd.s32 $0x800, s3  }
0x200: {  	v0 =	vld [tilespmem:s0+$0x9F0]  }
0x201: {  	v1 =	vld [tilespmem:s0+$0x800]  }
0x202: {  	v2 =	vld [tilespmem:s0+$0x810]  }
0x203: {  	v3 =	vld [tilespmem:s0+$0x820]  }
0x204: {  	v4 =	vld [tilespmem:s0+$0x830]  }
0x205: {  	v63 =	vld [tilespmem:s0+$0x840]  }
0x206: {  	v5 =	vld [tilespmem:s0+$0x850]  }
0x207: {  	v6 =	vld [tilespmem:s0+$0x860]  }
0x208: {  	v7 =	vld [tilespmem:s0+$0x870]  }
0x209: {  	v8 =	vld [tilespmem:s0+$0x880]  }
0x20a: {  	v9 =	vld [tilespmem:s0+$0x890]  }
0x20b: {  	v10 =	vld [tilespmem:s0+$0x8A0]  }
0x20c: {  	v11 =	vld [tilespmem:s0+$0x8B0]  }
0x20d: {  	v12 =	vld [tilespmem:s0+$0x8C0]  }
0x20e: {  	v13 =	vld [tilespmem:s0+$0x8D0]  }
0x20f: {  	v14 =	vld [tilespmem:s0+$0x8E0]  }
0x210: {  	v15 =	vld [tilespmem:s0+$0x8F0]  }
0x211: {  	v16 =	vld [tilespmem:s0+$0x900]  }
0x212: {  	v17 =	vld [tilespmem:s0+$0x910]  }
0x213: {  	v18 =	vld [tilespmem:s0+$0x920]  }
0x214: {  	v19 =	vld [tilespmem:s0+$0x930]  }
0x215: {  	v20 =	vld [tilespmem:s0+$0x940]  }
0x216: {  	v21 =	vld [tilespmem:s0+$0x950]  }
0x217: {  	v22 =	vld [tilespmem:s0+$0x960]  }
0x218: {  	v23 =	vld [tilespmem:s0+$0x970]  }
0x219: {  	v24 =	vld [tilespmem:s0+$0x980]  }
0x21a: {  	v25 =	vld [tilespmem:s0+$0x990]  }
0x21b: {  	v26 =	vld [tilespmem:s0+$0x9A0]  }
0x21c: {  	v27 =	vld [tilespmem:s0+$0x9B0]  }
0x21d: {  	v28 =	vld [tilespmem:s0+$0x9C0]  }
0x21e: {  	v29 =	vld [tilespmem:s0+$0x9D0]  }
0x21f: {  	v30 =	vld [tilespmem:s0+$0x9E0]  }
0x220: {  	[tilespmem:s0+$0x109F0] =	vst.add.f32.msk $0xffff, v0  }
0x221: {  	[tilespmem:s0+$0x10800] =	vst.add.f32.msk $0xffff, v1  }
0x222: {  	[tilespmem:s0+$0x10810] =	vst.add.f32.msk $0xffff, v2  }
0x223: {  	[tilespmem:s0+$0x10820] =	vst.add.f32.msk $0xffff, v3  }
0x224: {  	[tilespmem:s0+$0x10830] =	vst.add.f32.msk $0xffff, v4  }
0x225: {  	[tilespmem:s0+$0x10840] =	vst.add.f32.msk $0xffff, v63  }
0x226: {  	[tilespmem:s0+$0x10850] =	vst.add.f32.msk $0xffff, v5  }
0x227: {  	[tilespmem:s0+$0x10860] =	vst.add.f32.msk $0xffff, v6  }
0x228: {  	[tilespmem:s0+$0x10870] =	vst.add.f32.msk $0xffff, v7  }
0x229: {  	[tilespmem:s0+$0x10880] =	vst.add.f32.msk $0xffff, v8  }
0x22a: {  	[tilespmem:s0+$0x10890] =	vst.add.f32.msk $0xffff, v9  }
0x22b: {  	[tilespmem:s0+$0x108A0] =	vst.add.f32.msk $0xffff, v10  }
0x22c: {  	[tilespmem:s0+$0x108B0] =	vst.add.f32.msk $0xffff, v11  }
0x22d: {  	[tilespmem:s0+$0x108C0] =	vst.add.f32.msk $0xffff, v12  }
0x22e: {  	[tilespmem:s0+$0x108D0] =	vst.add.f32.msk $0xffff, v13  }
0x22f: {  	[tilespmem:s0+$0x108E0] =	vst.add.f32.msk $0xffff, v14  }
0x230: {  	[tilespmem:s0+$0x108F0] =	vst.add.f32.msk $0xffff, v15  }
0x231: {  	[tilespmem:s0+$0x10900] =	vst.add.f32.msk $0xffff, v16  }
0x232: {  	[tilespmem:s0+$0x10910] =	vst.add.f32.msk $0xffff, v17  }
0x233: {  	[tilespmem:s0+$0x10920] =	vst.add.f32.msk $0xffff, v18  }
0x234: {  	[tilespmem:s0+$0x10930] =	vst.add.f32.msk $0xffff, v19  }
0x235: {  	[tilespmem:s0+$0x10940] =	vst.add.f32.msk $0xffff, v20  }
0x236: {  	[tilespmem:s0+$0x10950] =	vst.add.f32.msk $0xffff, v21  }
0x237: {  	[tilespmem:s0+$0x10960] =	vst.add.f32.msk $0xffff, v22  }
0x238: {  	[tilespmem:s0+$0x10970] =	vst.add.f32.msk $0xffff, v23  }
0x239: {  	[tilespmem:s0+$0x10980] =	vst.add.f32.msk $0xffff, v24  }
0x23a: {  	s29 =	sadd.s32 $0x1, s29;
	[tilespmem:s0+$0x10990] =	vst.add.f32.msk $0xffff, v25  }
0x23b: {  	s3 =	sadd.s32 s5, s31;
	p0 =	sne.s32 s29, $0x4;
	[tilespmem:s0+$0x109A0] =	vst.add.f32.msk $0xffff, v26  }
.Ltmp4:
0x23c: {  	s3 =	sshll.u32 s3, $0x12;
	[tilespmem:s0+$0x109B0] =	vst.add.f32.msk $0xffff, v27;
	(pc) =	sbr.rel @p0 .LBB2_2-.Ltmp4, $4  }
0x23d: {  	s3 =	sor.u32 s7, s3;
	[tilespmem:s0+$0x109C0] =	vst.add.f32.msk $0xffff, v28  }
0x23e: {  	s3 =	sshrl.u32 s3, $0x3;
	[tilespmem:s0+$0x109D0] =	vst.add.f32.msk $0xffff, v29  }
0x23f: {  	s31 =	sadd.s32 s2, s3;
	[tilespmem:s0+$0x109E0] =	vst.add.f32.msk $0xffff, v30  }
0x240: {  	[hbm4b:s31+s4] =	stream.linear.scatter [tilespmem:s19], [sflag:$0x8], $0x4000, $0x38;
	[tilespmem:$0x14800] =	vst v63  }
0x241: {  	_ =	swait.ge [sflag:s23], $0x4000  }
0x242: {  	[sflag:s23] =	ssyncset.done $0x0  }
0x243: {  	[sflag:s23] =	ssyncadd.s32 $0xFFFFC000  }
0x244: {  	_ =	swait.ge [sflag:s24], $0x4000  }
0x245: {  	[sflag:s24] =	ssyncset.done $0x0  }
0x246: {  	s28 =	sadd.s32 $0x1, s28;
	[sflag:s24] =	ssyncadd.s32 $0xFFFFC000  }
0x247: {  	p0 =	sne.s32 s28, s9;
	_ =	swait.ge [sflag:s25], $0x4000  }
.Ltmp5:
0x248: {  	[sflag:s25] =	ssyncset.done $0x0;
	(pc) =	sbr.rel @p0 .LBB2_1-.Ltmp5, $4  }
0x249: {  	[sflag:s25] =	ssyncadd.s32 $0xFFFFC000  }
0x24a: {  	_ =	swait.ge [sflag:s26], $0x4000  }
0x24b: {  	[sflag:s26] =	ssyncset.done $0x0  }
0x24c: {  	[sflag:s26] =	ssyncadd.s32 $0xFFFFC000  }
0x24d: {  	_ =	sfence.sel $0x180000  }
0x24e: {  	[bflag:$0x0] =	sbarrier.arrive $0xFFFF  }
0x24f: {  	_ =	strace $0x90000047  }
0x250: {  	s0 =	stileid.u32;
	[bflag:$0x2] =	sbarrier.arrive $0xFFFF  }
0x251: {  	p0 =	sne.s32 s0, $0x0;
	s0 =	rddreg [dreg:$0x4]  }
0x252: {  	s0 =	sadd.s32 @!p0 $0x100000, s0  }
0x253: {  	[sflag:s0] =	ssyncadd.tile.s32 @!p0 $0x1;
	_ =	shalt  }
.Lfunc_end2:
_tile_overlayer_lowered:
.L_overlay_start_2:
0x254: {  	(tag) =	ssettag $0x2  }
0x255: {  	s0 =	rddreg [dreg:$0x0];
	s2 =	stileid.u32  }
0x256: {  	s1 =	rddreg [dreg:$0x1];
	p0 =	sne.s32 s2, $0x0  }
0x257: {  	s3 =	rddreg [dreg:$0x2];
	[bflag:$0x3] =	sbarrier.arrive $0xFFFF;
	s2 =	simm.s32 @!p0 $0x1C09  }
0x258: {  	[timem:s3], [sflag:s2] =	dma.local @!p0 [hbm:s0], s1  }
0x259: {  	s0 =	simm.s32 @!p0 $0x9  }
0x25a: {  	_ =	swait.ge @!p0 [sflag:s0], s1  }
0x25b: {  	s1 =	ssub.s32 @!p0 $0x0, s1;
	[sflag:s0] =	ssyncset.done @!p0 $0x0  }
0x25c: {  	[sflag:s0] =	ssyncadd.s32 @!p0 s1  }
0x25d: {  	[bflag:$0x3] =	sbarrier.arrive $0xFFFF  }
0x25e: {  	_ =	shalt  }

</sc_bundles>
